<compile_context>
chip_gen: v7x
topology: tpu7x:2x2x1
jax: 0.10.2.dev20260603
libtpu: 0.0.44.dev20260713+nightly
codegen_flags: <defaults>
</compile_context>

<pallas_src>
import functools

import jax
import jax.numpy as jnp
from jax import lax
from jax.experimental import pallas as pl
from jax.experimental.pallas import tpu as pltpu
from jax.experimental.pallas import tpu_sc as plsc

N_NODES = 10000
N_EDGES = 320000
B_GRAPHS = 64
CHANNELS = 128

NC = 2
NS = 16
HALF = 5120
N_PAD = NC * HALF
NPT = HALF // NS
EPT = N_EDGES // NS

MIN_R = 0.2
MAX_R = 1.0
MIN_HG = 0.05
SIZE_MIX = 0.3
SIZE_TEMP = 3.0
HEAD_MIX = 0.3
HEAD_TEMP = 2.0
NUM_LAYERS = 12
NUM_HEADS = 12


def _extract_body(e_ref, b_ref, o_ref, bp_ref):
    o_ref[...] = e_ref[0, :]
    bp_ref[pl.ds(0, N_NODES)] = b_ref[...]
    bp_ref[pl.ds(N_NODES, 10240 - N_NODES)] = jnp.full(
        (10240 - N_NODES,), B_GRAPHS, jnp.int32)


def _extract_src(edge_index, batch):
    return pl.pallas_call(
        _extract_body,
        out_shape=[jax.ShapeDtypeStruct((N_EDGES,), jnp.int32),
                   jax.ShapeDtypeStruct((10240,), jnp.int32)],
    )(edge_index, batch)


N_HPAD = 10240
EPW = N_EDGES // (NC * NS)
NPW = N_HPAD // NS


def _sc_hist_body(edge_hbm, out_hbm, e_v, hist_v, part_v, deg_v,
                  hist_sh, sem0, sem1):
    c = lax.axis_index("c")
    s = lax.axis_index("s")
    w = s * NC + c

    zf = jnp.zeros((16,), jnp.float32)
    ones16 = jnp.ones((16,), jnp.float32)

    h0 = pltpu.async_copy(edge_hbm.at[pl.ds(w * EPW, EPW)], e_v, sem0)

    def zbody(i, carry):
        hist_v[pl.ds(i * 16, 16)] = zf
        return carry
    lax.fori_loop(0, N_HPAD // 16, zbody, 0, unroll=8)

    def hbody(i, carry):
        idx = e_v[pl.ds(i * 16, 16)]
        plsc.addupdate_scatter(hist_v, [idx], ones16)
        return carry

    h0.wait()
    lax.fori_loop(0, EPW // 16, hbody, 0, unroll=8)

    pltpu.sync_copy(hist_v, hist_sh.at[pl.ds(s * N_HPAD, N_HPAD)])
    plsc.subcore_barrier()

    handles = [
        pltpu.async_copy(hist_sh.at[pl.ds(l * N_HPAD + s * NPW, NPW)],
                         part_v.at[pl.ds(l * NPW, NPW)], sem1)
        for l in range(NS)
    ]
    for h in handles:
        h.wait()

    def rbody(j, carry):
        acc = part_v[pl.ds(j * 16, 16)]
        for l in range(1, NS):
            acc = acc + part_v[pl.ds(l * NPW + j * 16, 16)]
        deg_v[pl.ds(j * 16, 16)] = acc
        return carry
    lax.fori_loop(0, NPW // 16, rbody, 0, unroll=4)

    pltpu.sync_copy(deg_v, out_hbm.at[pl.ds(c * N_HPAD + s * NPW, NPW)])


def _sc_hist(src):
    mesh = plsc.VectorSubcoreMesh(core_axis_name="c", subcore_axis_name="s",
                                  num_cores=NC, num_subcores=NS)
    f = functools.partial(
        pl.kernel,
        out_type=jax.ShapeDtypeStruct((NC * N_HPAD,), jnp.float32),
        mesh=mesh,
        scratch_types=[
            pltpu.VMEM((EPW,), jnp.int32),
            pltpu.VMEM((N_HPAD,), jnp.float32),
            pltpu.VMEM((NS * NPW,), jnp.float32),
            pltpu.VMEM((NPW,), jnp.float32),
            pltpu.VMEM_SHARED((NS * N_HPAD,), jnp.float32),
            pltpu.SemaphoreType.DMA,
            pltpu.SemaphoreType.DMA,
        ],
        compiler_params=pltpu.CompilerParams(needs_layout_passes=False),
    )(_sc_hist_body)
    return f(src)


NB = 5
NBL = N_NODES // NB


def _pool_body(b_ref, e_ref, o_ref):
    i = pl.program_id(0)
    gid = lax.broadcasted_iota(jnp.int32, (B_GRAPHS, NBL), 0)
    oh = (b_ref[0] == gid).astype(jnp.float32)
    contrib = jnp.dot(oh, e_ref[...], preferred_element_type=jnp.float32)

    @pl.when(i == 0)
    def _():
        o_ref[...] = contrib

    @pl.when(i != 0)
    def _():
        o_ref[...] = o_ref[...] + contrib


def _pool(batch3d, node_emb):
    return pl.pallas_call(
        _pool_body,
        grid=(NB,),
        in_specs=[
            pl.BlockSpec((1, 1, NBL), lambda i: (i, 0, 0)),
            pl.BlockSpec((NBL, CHANNELS), lambda i: (i, 0)),
        ],
        out_specs=pl.BlockSpec((B_GRAPHS, CHANNELS), lambda i: (0, 0)),
        out_shape=jax.ShapeDtypeStruct((B_GRAPHS, CHANNELS), jnp.float32),
    )(batch3d, node_emb)


def _head_body(h0_ref, h1_ref, bp_ref, pool_ref, wst_ref, bst_ref,
               wemb_ref, bemb_ref,
               wcomb_ref, bcomb_ref, wtok_ref, btok_ref, wlay_ref, blay_ref,
               wh1_ref, bh1_ref, wh2_ref, bh2_ref,
               tok_ref, lay_ref, head_ref):
    def nt_dot(a, w_ref):
        return lax.dot_general(a, w_ref[...], (((1,), (1,)), ((), ())),
                               preferred_element_type=jnp.float32)

    deg = h0_ref[...] + h1_ref[...]
    deg_row = deg.reshape(1, N_HPAD)
    gid = lax.broadcasted_iota(jnp.int32, (B_GRAPHS, N_HPAD), 0)
    oh = (bp_ref[...].reshape(1, N_HPAD) == gid).astype(jnp.float32)
    dsq_row = deg_row * deg_row
    dsq_hi = jnp.floor(dsq_row * (1.0 / 256.0))
    dsq_lo = dsq_row - 256.0 * dsq_hi
    rows = jnp.concatenate(
        [jnp.ones((1, N_HPAD), jnp.float32), deg_row, dsq_hi, dsq_lo,
         jnp.zeros((4, N_HPAD), jnp.float32)], axis=0)
    st = lax.dot_general(oh, rows, (((1,), (1,)), ((), ())),
                         preferred_element_type=jnp.float32)
    Ncnt = st[:, 0:1]
    dsum = st[:, 1:2]
    dsq = 256.0 * st[:, 2:3] + st[:, 3:4]
    cnt = jnp.maximum(Ncnt, 1.0)
    Ecnt = 0.5 * dsum
    log_N = jnp.log(Ncnt + 1.0)
    log_E = jnp.log(Ecnt + 1.0)
    density = 2.0 * Ecnt / (Ncnt * (Ncnt - 1.0) + 1e-8)
    avg_deg = dsum / cnt
    deg_var = jnp.maximum(dsq / cnt - avg_deg * avg_deg, 0.0)

    feats = jnp.concatenate(
        [log_N, log_E, density, avg_deg, deg_var], axis=1)
    struct_h = jnp.maximum(nt_dot(feats, wst_ref) + bst_ref[...].reshape(1, -1), 0.0)

    pooled = pool_ref[...] / cnt
    emb_h = jnp.maximum(nt_dot(pooled, wemb_ref) + bemb_ref[...].reshape(1, -1), 0.0)
    h = jnp.maximum(nt_dot(struct_h + emb_h, wcomb_ref) + bcomb_ref[...].reshape(1, -1), 0.0)

    raw_tok = jax.nn.sigmoid(nt_dot(h, wtok_ref) + btok_ref[...].reshape(1, -1))
    learned_tok = MIN_R + (MAX_R - MIN_R) * raw_tok

    m = jnp.mean(log_N)
    std = jnp.maximum(jnp.sqrt(jnp.mean((log_N - m) ** 2)), 1e-6)
    size_z = (log_N - m) / std
    prior_tok = MIN_R + (MAX_R - MIN_R) * jax.nn.sigmoid(-SIZE_TEMP * size_z)
    tok_ref[...] = (1.0 - SIZE_MIX) * learned_tok + SIZE_MIX * prior_tok

    lay_ref[...] = jax.nn.sigmoid(nt_dot(h, wlay_ref) + blay_ref[...].reshape(1, -1))

    h1 = jnp.maximum(nt_dot(h, wh1_ref) + bh1_ref[...].reshape(1, -1), 0.0)
    raw_head = jax.nn.sigmoid(nt_dot(h1, wh2_ref) + bh2_ref[...].reshape(1, -1))
    learned_head = MIN_HG + (1.0 - MIN_HG) * raw_head
    head_prior = MIN_HG + (1.0 - MIN_HG) * jax.nn.sigmoid(-HEAD_TEMP * size_z)
    hg = (1.0 - HEAD_MIX) * learned_head + HEAD_MIX * head_prior
    head_ref[...] = hg.reshape(B_GRAPHS, NUM_LAYERS, NUM_HEADS)


def _head(hist2, batch_pad, poolsum, wst, bst, wemb, bemb, wcomb, bcomb,
          wtok, btok, wlay, blay, wh1, bh1, wh2, bh2):
    return pl.pallas_call(
        _head_body,
        grid=(1,),
        in_specs=[
            pl.BlockSpec((N_HPAD,), lambda i: (0,)),
            pl.BlockSpec((N_HPAD,), lambda i: (1,)),
            pl.BlockSpec((N_HPAD,), lambda i: (0,)),
            pl.BlockSpec((B_GRAPHS, CHANNELS), lambda i: (0, 0)),
        ] + [
            pl.BlockSpec(w.shape, (lambda nd: (lambda i: (0,) * nd))(w.ndim))
            for w in (wst, bst, wemb, bemb, wcomb, bcomb, wtok, btok,
                      wlay, blay, wh1, bh1, wh2, bh2)
        ],
        out_specs=[
            pl.BlockSpec((B_GRAPHS, NUM_LAYERS), lambda i: (0, 0)),
            pl.BlockSpec((B_GRAPHS, NUM_LAYERS), lambda i: (0, 0)),
            pl.BlockSpec((B_GRAPHS, NUM_LAYERS, NUM_HEADS),
                         lambda i: (0, 0, 0)),
        ],
        out_shape=[
            jax.ShapeDtypeStruct((B_GRAPHS, NUM_LAYERS), jnp.float32),
            jax.ShapeDtypeStruct((B_GRAPHS, NUM_LAYERS), jnp.float32),
            jax.ShapeDtypeStruct((B_GRAPHS, NUM_LAYERS, NUM_HEADS),
                                 jnp.float32),
        ],
    )(hist2, hist2, batch_pad, poolsum, wst, bst, wemb, bemb,
      wcomb, bcomb, wtok, btok, wlay, blay, wh1, bh1, wh2, bh2)


def kernel(x, edge_index, batch, node_emb, W_struct, b_struct, W_emb, b_emb,
           W_comb, b_comb, W_tok, b_tok, W_layer, b_layer, W_h1, b_h1,
           W_h2, b_h2):
    src, batch_pad = _extract_src(edge_index, batch)
    hist2 = _sc_hist(src)

    poolsum = _pool(batch.reshape(NB, 1, NBL), node_emb)

    token_ratios, layer_gates, head_gates = _head(
        hist2, batch_pad, poolsum, W_struct, b_struct, W_emb, b_emb,
        W_comb, b_comb, W_tok, b_tok, W_layer, b_layer, W_h1, b_h1,
        W_h2, b_h2)
    return (jnp.maximum(token_ratios, 0.0), jnp.maximum(layer_gates, 0.0),
            jnp.maximum(head_gates, 0.0))

# --- scband reference (transcript-rebuilt; emitter-appended) ---
"""Pipeline reference for scband-budget-net-19765439496827 (READ-ONLY COPY).

The authoritative reference and input builder live on the scoring server;
editing this copy changes nothing except your own understanding.
"""

import jax, jax.numpy as jnp
import numpy as np

CHANNELS = 128
HIDDEN = 64
NUM_LAYERS = 12
NUM_HEADS = 12
MIN_R = 0.2
MAX_R = 1.0
MIN_HG = 0.05
SIZE_MIX = 0.3
SIZE_TEMP = 3.0
HEAD_MIX = 0.3
HEAD_TEMP = 2.0
N_NODES = 10000
N_EDGES = 320000
B_GRAPHS = 64


def _lin(key, out_dim, in_dim):
    k1, k2 = jax.random.split(key)
    lim = 1.0 / np.sqrt(in_dim)
    W = jax.random.uniform(k1, (out_dim, in_dim), jnp.float32, -lim, lim)
    b = jax.random.uniform(k2, (out_dim,), jnp.float32, -lim, lim)
    return W, b


def setup_inputs(seed: int = 0):
    key = jax.random.key(seed)
    ks = jax.random.split(key, 12)
    x = jax.random.normal(ks[0], (N_NODES, CHANNELS), jnp.float32)
    edge_index = jax.random.randint(ks[1], (2, N_EDGES), 0, N_NODES, dtype=jnp.int32)
    batch = jnp.sort(jax.random.randint(ks[2], (N_NODES,), 0, B_GRAPHS, dtype=jnp.int32))
    node_emb = jax.random.normal(ks[3], (N_NODES, CHANNELS), jnp.float32)
    W_struct, b_struct = _lin(ks[4], HIDDEN, 5)
    W_emb, b_emb = _lin(ks[5], HIDDEN, CHANNELS)
    W_comb, b_comb = _lin(ks[6], HIDDEN, HIDDEN)
    W_tok, b_tok = _lin(ks[7], NUM_LAYERS, HIDDEN)
    W_layer, b_layer = _lin(ks[8], NUM_LAYERS, HIDDEN)
    W_h1, b_h1 = _lin(ks[9], HIDDEN, HIDDEN)
    W_h2, b_h2 = _lin(ks[10], NUM_LAYERS * NUM_HEADS, HIDDEN)
    return {"x": x, "edge_index": edge_index, "batch": batch, "node_emb": node_emb,
            "W_struct": W_struct, "b_struct": b_struct, "W_emb": W_emb, "b_emb": b_emb,
            "W_comb": W_comb, "b_comb": b_comb, "W_tok": W_tok, "b_tok": b_tok,
            "W_layer": W_layer, "b_layer": b_layer, "W_h1": W_h1, "b_h1": b_h1,
            "W_h2": W_h2, "b_h2": b_h2}


def reference(x, edge_index, batch, node_emb, W_struct, b_struct, W_emb, b_emb,
              W_comb, b_comb, W_tok, b_tok, W_layer, b_layer, W_h1, b_h1, W_h2, b_h2):
    num_nodes = x.shape[0]
    B = B_GRAPHS
    ones_n = jnp.ones((num_nodes,), jnp.float32)
    Ncnt = jax.ops.segment_sum(ones_n, batch, num_segments=B)
    edge_graph = batch[edge_index[0]]
    ones_e = jnp.ones((edge_index.shape[1],), jnp.float32)
    Ecnt = jax.ops.segment_sum(ones_e, edge_graph, num_segments=B) / 2.0
    log_N = jnp.log(Ncnt + 1.0)[:, None]
    log_E = jnp.log(Ecnt + 1.0)[:, None]
    density = (2.0 * Ecnt / (Ncnt * (Ncnt - 1.0) + 1e-08))[:, None]
    deg = jax.ops.segment_sum(ones_e, edge_index[0], num_segments=num_nodes)
    cnt = jnp.maximum(Ncnt, 1.0)
    avg_deg = (jax.ops.segment_sum(deg, batch, num_segments=B) / cnt)[:, None]
    deg_sq = (jax.ops.segment_sum(deg * deg, batch, num_segments=B) / cnt)[:, None]
    deg_var = jnp.maximum(deg_sq - avg_deg * avg_deg, 0.0)
    struct_feats = jnp.concatenate([log_N, log_E, density, avg_deg, deg_var], axis=-1)
    struct_h = jax.nn.relu(struct_feats @ W_struct.T + b_struct)
    pooled = jax.ops.segment_sum(jax.lax.stop_gradient(node_emb), batch, num_segments=B) / cnt[:, None]
    emb_h = jax.nn.relu(pooled @ W_emb.T + b_emb)
    h = jax.nn.relu((struct_h + emb_h) @ W_comb.T + b_comb)
    raw_tok = jax.nn.sigmoid(h @ W_tok.T + b_tok)
    learned_tok = MIN_R + (MAX_R - MIN_R) * raw_tok
    size_std = jnp.maximum(jnp.std(log_N), 1e-06)
    size_z = (log_N - jnp.mean(log_N)) / size_std
    size_prior = jnp.broadcast_to(jax.nn.sigmoid(-SIZE_TEMP * size_z), (B, NUM_LAYERS))
    prior_tok = MIN_R + (MAX_R - MIN_R) * size_prior
    token_ratios = (1.0 - SIZE_MIX) * learned_tok + SIZE_MIX * prior_tok
    layer_gates = jax.nn.sigmoid(h @ W_layer.T + b_layer)
    raw_head = jax.nn.sigmoid(jax.nn.relu(h @ W_h1.T + b_h1) @ W_h2.T + b_h2)
    learned_head = (MIN_HG + (1.0 - MIN_HG) * raw_head).reshape(B, NUM_LAYERS, NUM_HEADS)
    head_prior = jax.nn.sigmoid(-HEAD_TEMP * size_z)
    head_prior = MIN_HG + (1.0 - MIN_HG) * head_prior
    head_prior = jnp.broadcast_to(head_prior[:, :, None], (B, NUM_LAYERS, NUM_HEADS))
    head_gates = (1.0 - HEAD_MIX) * learned_head + HEAD_MIX * head_prior
    return (token_ratios, layer_gates, head_gates)

if __name__ == "__main__":
    import jax
    _d = setup_inputs()
    print(jax.jit(kernel)(*tuple(_d.values())))

</pallas_src>

<mosaic_0001>
#map = affine_map<(d0, d1) -> (0)>
module attributes {stable_mosaic.version = 14 : i64} {
  func.func @_sc_hist_body(%arg0: i32, %arg1: i32, %arg2: memref<320000xi32, #tpu.memory_space<hbm>>, %arg3: memref<20480xf32, #tpu.memory_space<hbm>>, %arg4: memref<10000xi32, #tpu.memory_space<vmem>>, %arg5: memref<10240xf32, #tpu.memory_space<vmem>>, %arg6: memref<10240xf32, #tpu.memory_space<vmem>>, %arg7: memref<640xf32, #tpu.memory_space<vmem>>, %arg8: memref<163840xf32, #tpu.memory_space<vmem_shared>>, %arg9: memref<!tpu.dma_semaphore, #tpu.memory_space<semaphore_mem>>, %arg10: memref<!tpu.dma_semaphore, #tpu.memory_space<semaphore_mem>>) attributes {dimension_semantics = [#tpu.dimension_semantics<core_parallel>, #tpu.dimension_semantics<subcore_parallel>], iteration_bounds = array<i64: 2, 16>, scalar_prefetch = 0 : i64, scratch_operands = 7 : i64, tpu.core_type = #tpu.core_type<sc_vector_subcore>, window_params = [{transform_indices = #map}, {transform_indices = #map}]} {
    %mul3A = arith.constant 2 : i32
    %mul3A_0 = arith.muli %arg1, %mul3A : i32
    %add3A = arith.addi %mul3A_0, %arg0 : i32
    %broadcast_in_dim3A = arith.constant 0.000000e+00 : f32
    %broadcast_in_dim3A_1 = vector.broadcast %broadcast_in_dim3A : f32 to vector<16xf32>
    %broadcast_in_dim3A_2 = arith.constant 1.000000e+00 : f32
    %broadcast_in_dim3A_3 = vector.broadcast %broadcast_in_dim3A_2 : f32 to vector<16xf32>
    %mul3A_4 = arith.constant 10000 : i32
    %mul3A_5 = arith.muli %add3A, %mul3A_4 : i32
    %dma_start3A = tpu.memref_slice %arg2[%mul3A_5] : memref<320000xi32, #tpu.memory_space<hbm>> -> memref<10000xi32, #tpu.memory_space<hbm>>
    %dma_start3A_6 = tpu.memref_slice %arg2[%mul3A_5] : memref<320000xi32, #tpu.memory_space<hbm>> -> memref<10000xi32, #tpu.memory_space<hbm>>
    tpu.enqueue_dma source(%dma_start3A_6 : memref<10000xi32, #tpu.memory_space<hbm>>) target(%arg4 : memref<10000xi32, #tpu.memory_space<vmem>>) target_semaphore(%arg9 : memref<!tpu.dma_semaphore, #tpu.memory_space<semaphore_mem>>)
    %scan3A = arith.constant 0 : i32
    %scan3A_7 = arith.constant 0 : i32
    %scan3A_8 = arith.constant 640 : i32
    %scan3A_9 = arith.addi %scan3A_7, %scan3A_8 : i32
    %scan3A_10 = arith.constant 8 : i32
    scf.for %scan3A_293 = %scan3A_7 to %scan3A_9 step %scan3A_10  : i32 {
      %mul3A_294 = arith.constant 16 : i32
      %mul3A_295 = arith.muli %scan3A_293, %mul3A_294 : i32
      %swap3A = arith.index_cast %mul3A_295 : i32 to index
      %swap3A_296 = tpu.vector_load %arg5[%swap3A] {strides = array<i32>} : memref<10240xf32, #tpu.memory_space<vmem>>, vector<16xf32>,
      tpu.vector_store %arg5[%swap3A], %broadcast_in_dim3A_1 {strides = array<i32>} : memref<10240xf32, #tpu.memory_space<vmem>>, vector<16xf32>,
      %scan3A_297 = arith.constant 1 : i32
      %scan3A_298 = arith.addi %scan3A_293, %scan3A_297 : i32
      %mul3A_299 = arith.constant 16 : i32
      %mul3A_300 = arith.muli %scan3A_298, %mul3A_299 : i32
      %swap3A_301 = arith.index_cast %mul3A_300 : i32 to index
      %swap3A_302 = tpu.vector_load %arg5[%swap3A_301] {strides = array<i32>} : memref<10240xf32, #tpu.memory_space<vmem>>, vector<16xf32>,
      tpu.vector_store %arg5[%swap3A_301], %broadcast_in_dim3A_1 {strides = array<i32>} : memref<10240xf32, #tpu.memory_space<vmem>>, vector<16xf32>,
      %scan3A_303 = arith.constant 2 : i32
      %scan3A_304 = arith.addi %scan3A_293, %scan3A_303 : i32
      %mul3A_305 = arith.constant 16 : i32
      %mul3A_306 = arith.muli %scan3A_304, %mul3A_305 : i32
      %swap3A_307 = arith.index_cast %mul3A_306 : i32 to index
      %swap3A_308 = tpu.vector_load %arg5[%swap3A_307] {strides = array<i32>} : memref<10240xf32, #tpu.memory_space<vmem>>, vector<16xf32>,
      tpu.vector_store %arg5[%swap3A_307], %broadcast_in_dim3A_1 {strides = array<i32>} : memref<10240xf32, #tpu.memory_space<vmem>>, vector<16xf32>,
      %scan3A_309 = arith.constant 3 : i32
      %scan3A_310 = arith.addi %scan3A_293, %scan3A_309 : i32
      %mul3A_311 = arith.constant 16 : i32
      %mul3A_312 = arith.muli %scan3A_310, %mul3A_311 : i32
      %swap3A_313 = arith.index_cast %mul3A_312 : i32 to index
      %swap3A_314 = tpu.vector_load %arg5[%swap3A_313] {strides = array<i32>} : memref<10240xf32, #tpu.memory_space<vmem>>, vector<16xf32>,
      tpu.vector_store %arg5[%swap3A_313], %broadcast_in_dim3A_1 {strides = array<i32>} : memref<10240xf32, #tpu.memory_space<vmem>>, vector<16xf32>,
      %scan3A_315 = arith.constant 4 : i32
      %scan3A_316 = arith.addi %scan3A_293, %scan3A_315 : i32
      %mul3A_317 = arith.constant 16 : i32
      %mul3A_318 = arith.muli %scan3A_316, %mul3A_317 : i32
      %swap3A_319 = arith.index_cast %mul3A_318 : i32 to index
      %swap3A_320 = tpu.vector_load %arg5[%swap3A_319] {strides = array<i32>} : memref<10240xf32, #tpu.memory_space<vmem>>, vector<16xf32>,
      tpu.vector_store %arg5[%swap3A_319], %broadcast_in_dim3A_1 {strides = array<i32>} : memref<10240xf32, #tpu.memory_space<vmem>>, vector<16xf32>,
      %scan3A_321 = arith.constant 5 : i32
      %scan3A_322 = arith.addi %scan3A_293, %scan3A_321 : i32
      %mul3A_323 = arith.constant 16 : i32
      %mul3A_324 = arith.muli %scan3A_322, %mul3A_323 : i32
      %swap3A_325 = arith.index_cast %mul3A_324 : i32 to index
      %swap3A_326 = tpu.vector_load %arg5[%swap3A_325] {strides = array<i32>} : memref<10240xf32, #tpu.memory_space<vmem>>, vector<16xf32>,
      tpu.vector_store %arg5[%swap3A_325], %broadcast_in_dim3A_1 {strides = array<i32>} : memref<10240xf32, #tpu.memory_space<vmem>>, vector<16xf32>,
      %scan3A_327 = arith.constant 6 : i32
      %scan3A_328 = arith.addi %scan3A_293, %scan3A_327 : i32
      %mul3A_329 = arith.constant 16 : i32
      %mul3A_330 = arith.muli %scan3A_328, %mul3A_329 : i32
      %swap3A_331 = arith.index_cast %mul3A_330 : i32 to index
      %swap3A_332 = tpu.vector_load %arg5[%swap3A_331] {strides = array<i32>} : memref<10240xf32, #tpu.memory_space<vmem>>, vector<16xf32>,
      tpu.vector_store %arg5[%swap3A_331], %broadcast_in_dim3A_1 {strides = array<i32>} : memref<10240xf32, #tpu.memory_space<vmem>>, vector<16xf32>,
      %scan3A_333 = arith.constant 7 : i32
      %scan3A_334 = arith.addi %scan3A_293, %scan3A_333 : i32
      %mul3A_335 = arith.constant 16 : i32
      %mul3A_336 = arith.muli %scan3A_334, %mul3A_335 : i32
      %swap3A_337 = arith.index_cast %mul3A_336 : i32 to index
      %swap3A_338 = tpu.vector_load %arg5[%swap3A_337] {strides = array<i32>} : memref<10240xf32, #tpu.memory_space<vmem>>, vector<16xf32>,
      tpu.vector_store %arg5[%swap3A_337], %broadcast_in_dim3A_1 {strides = array<i32>} : memref<10240xf32, #tpu.memory_space<vmem>>, vector<16xf32>,
    }
    %scan3A_11 = arith.constant 640 : i32
    %dma_wait3A = tpu.memref_slice %arg2[%mul3A_5] : memref<320000xi32, #tpu.memory_space<hbm>> -> memref<10000xi32, #tpu.memory_space<hbm>>
    %dma_wait3A_12 = tpu.memref_slice %arg2[%mul3A_5] : memref<320000xi32, #tpu.memory_space<hbm>> -> memref<10000xi32, #tpu.memory_space<hbm>>
    tpu.wait_dma2 semaphore(%arg9 : memref<!tpu.dma_semaphore, #tpu.memory_space<semaphore_mem>>) src(%dma_wait3A_12 : memref<10000xi32, #tpu.memory_space<hbm>>) dst(%arg4 : memref<10000xi32, #tpu.memory_space<vmem>>)
    %scan3A_13 = arith.constant 0 : i32
    %scan3A_14 = arith.constant 0 : i32
    %scan3A_15 = arith.constant 624 : i32
    %scan3A_16 = arith.addi %scan3A_14, %scan3A_15 : i32
    %scan3A_17 = arith.constant 8 : i32
    scf.for %scan3A_293 = %scan3A_14 to %scan3A_16 step %scan3A_17  : i32 {
      %mul3A_294 = arith.constant 16 : i32
      %mul3A_295 = arith.muli %scan3A_293, %mul3A_294 : i32
      %get3A_296 = arith.index_cast %mul3A_295 : i32 to index
      %get3A_297 = tpu.vector_load %arg4[%get3A_296] {strides = array<i32>} : memref<10000xi32, #tpu.memory_space<vmem>>, vector<16xi32>,
      tpu.vector_store_idx %arg5[%get3A_297], %broadcast_in_dim3A_3 {add = true} : memref<10240xf32, #tpu.memory_space<vmem>>[vector<16xi32>], vector<16xf32>,
      %scan3A_298 = arith.constant 1 : i32
      %scan3A_299 = arith.addi %scan3A_293, %scan3A_298 : i32
      %mul3A_300 = arith.constant 16 : i32
      %mul3A_301 = arith.muli %scan3A_299, %mul3A_300 : i32
      %get3A_302 = arith.index_cast %mul3A_301 : i32 to index
      %get3A_303 = tpu.vector_load %arg4[%get3A_302] {strides = array<i32>} : memref<10000xi32, #tpu.memory_space<vmem>>, vector<16xi32>,
      tpu.vector_store_idx %arg5[%get3A_303], %broadcast_in_dim3A_3 {add = true} : memref<10240xf32, #tpu.memory_space<vmem>>[vector<16xi32>], vector<16xf32>,
      %scan3A_304 = arith.constant 2 : i32
      %scan3A_305 = arith.addi %scan3A_293, %scan3A_304 : i32
      %mul3A_306 = arith.constant 16 : i32
      %mul3A_307 = arith.muli %scan3A_305, %mul3A_306 : i32
      %get3A_308 = arith.index_cast %mul3A_307 : i32 to index
      %get3A_309 = tpu.vector_load %arg4[%get3A_308] {strides = array<i32>} : memref<10000xi32, #tpu.memory_space<vmem>>, vector<16xi32>,
      tpu.vector_store_idx %arg5[%get3A_309], %broadcast_in_dim3A_3 {add = true} : memref<10240xf32, #tpu.memory_space<vmem>>[vector<16xi32>], vector<16xf32>,
      %scan3A_310 = arith.constant 3 : i32
      %scan3A_311 = arith.addi %scan3A_293, %scan3A_310 : i32
      %mul3A_312 = arith.constant 16 : i32
      %mul3A_313 = arith.muli %scan3A_311, %mul3A_312 : i32
      %get3A_314 = arith.index_cast %mul3A_313 : i32 to index
      %get3A_315 = tpu.vector_load %arg4[%get3A_314] {strides = array<i32>} : memref<10000xi32, #tpu.memory_space<vmem>>, vector<16xi32>,
      tpu.vector_store_idx %arg5[%get3A_315], %broadcast_in_dim3A_3 {add = true} : memref<10240xf32, #tpu.memory_space<vmem>>[vector<16xi32>], vector<16xf32>,
      %scan3A_316 = arith.constant 4 : i32
      %scan3A_317 = arith.addi %scan3A_293, %scan3A_316 : i32
      %mul3A_318 = arith.constant 16 : i32
      %mul3A_319 = arith.muli %scan3A_317, %mul3A_318 : i32
      %get3A_320 = arith.index_cast %mul3A_319 : i32 to index
      %get3A_321 = tpu.vector_load %arg4[%get3A_320] {strides = array<i32>} : memref<10000xi32, #tpu.memory_space<vmem>>, vector<16xi32>,
      tpu.vector_store_idx %arg5[%get3A_321], %broadcast_in_dim3A_3 {add = true} : memref<10240xf32, #tpu.memory_space<vmem>>[vector<16xi32>], vector<16xf32>,
      %scan3A_322 = arith.constant 5 : i32
      %scan3A_323 = arith.addi %scan3A_293, %scan3A_322 : i32
      %mul3A_324 = arith.constant 16 : i32
      %mul3A_325 = arith.muli %scan3A_323, %mul3A_324 : i32
      %get3A_326 = arith.index_cast %mul3A_325 : i32 to index
      %get3A_327 = tpu.vector_load %arg4[%get3A_326] {strides = array<i32>} : memref<10000xi32, #tpu.memory_space<vmem>>, vector<16xi32>,
      tpu.vector_store_idx %arg5[%get3A_327], %broadcast_in_dim3A_3 {add = true} : memref<10240xf32, #tpu.memory_space<vmem>>[vector<16xi32>], vector<16xf32>,
      %scan3A_328 = arith.constant 6 : i32
      %scan3A_329 = arith.addi %scan3A_293, %scan3A_328 : i32
      %mul3A_330 = arith.constant 16 : i32
      %mul3A_331 = arith.muli %scan3A_329, %mul3A_330 : i32
      %get3A_332 = arith.index_cast %mul3A_331 : i32 to index
      %get3A_333 = tpu.vector_load %arg4[%get3A_332] {strides = array<i32>} : memref<10000xi32, #tpu.memory_space<vmem>>, vector<16xi32>,
      tpu.vector_store_idx %arg5[%get3A_333], %broadcast_in_dim3A_3 {add = true} : memref<10240xf32, #tpu.memory_space<vmem>>[vector<16xi32>], vector<16xf32>,
      %scan3A_334 = arith.constant 7 : i32
      %scan3A_335 = arith.addi %scan3A_293, %scan3A_334 : i32
      %mul3A_336 = arith.constant 16 : i32
      %mul3A_337 = arith.muli %scan3A_335, %mul3A_336 : i32
      %get3A_338 = arith.index_cast %mul3A_337 : i32 to index
      %get3A_339 = tpu.vector_load %arg4[%get3A_338] {strides = array<i32>} : memref<10000xi32, #tpu.memory_space<vmem>>, vector<16xi32>,
      tpu.vector_store_idx %arg5[%get3A_339], %broadcast_in_dim3A_3 {add = true} : memref<10240xf32, #tpu.memory_space<vmem>>[vector<16xi32>], vector<16xf32>,
    }
    %scan3A_18 = arith.constant 624 : i32
    %scan3A_19 = arith.addi %scan3A_14, %scan3A_18 : i32
    %mul3A_20 = arith.constant 16 : i32
    %mul3A_21 = arith.muli %scan3A_19, %mul3A_20 : i32
    %get3A = arith.index_cast %mul3A_21 : i32 to index
    %get3A_22 = tpu.vector_load %arg4[%get3A] {strides = array<i32>} : memref<10000xi32, #tpu.memory_space<vmem>>, vector<16xi32>,
    tpu.vector_store_idx %arg5[%get3A_22], %broadcast_in_dim3A_3 {add = true} : memref<10240xf32, #tpu.memory_space<vmem>>[vector<16xi32>], vector<16xf32>,
    %scan3A_23 = arith.constant 625 : i32
    %mul3A_24 = arith.constant 10240 : i32
    %mul3A_25 = arith.muli %arg1, %mul3A_24 : i32
    "tpu.region"() ({
      %run_scoped3A = tpu.sem_alloc : memref<!tpu.dma_semaphore, #tpu.memory_space<semaphore_mem>>
      %dma_start3A_293 = tpu.memref_slice %arg8[%mul3A_25] : memref<163840xf32, #tpu.memory_space<vmem_shared>> -> memref<10240xf32, #tpu.memory_space<vmem_shared>>
      %dma_start3A_294 = tpu.memref_slice %arg8[%mul3A_25] : memref<163840xf32, #tpu.memory_space<vmem_shared>> -> memref<10240xf32, #tpu.memory_space<vmem_shared>>
      tpu.enqueue_dma source(%arg5 : memref<10240xf32, #tpu.memory_space<vmem>>) target(%dma_start3A_294 : memref<10240xf32, #tpu.memory_space<vmem_shared>>) target_semaphore(%run_scoped3A : memref<!tpu.dma_semaphore, #tpu.memory_space<semaphore_mem>>)
      %dma_wait3A_295 = tpu.memref_slice %arg8[%mul3A_25] : memref<163840xf32, #tpu.memory_space<vmem_shared>> -> memref<10240xf32, #tpu.memory_space<vmem_shared>>
      %dma_wait3A_296 = tpu.memref_slice %arg8[%mul3A_25] : memref<163840xf32, #tpu.memory_space<vmem_shared>> -> memref<10240xf32, #tpu.memory_space<vmem_shared>>
      tpu.wait_dma2 semaphore(%run_scoped3A : memref<!tpu.dma_semaphore, #tpu.memory_space<semaphore_mem>>) src(%arg5 : memref<10240xf32, #tpu.memory_space<vmem>>) dst(%dma_wait3A_296 : memref<10240xf32, #tpu.memory_space<vmem_shared>>)
      tpu.yield
    }) : () -> ()
    %barrier3A = arith.constant 0 : index
    tpu.barrier barrier_id(%barrier3A)
    %mul3A_26 = arith.constant 640 : i32
    %mul3A_27 = arith.muli %arg1, %mul3A_26 : i32
    %add3A_28 = arith.constant 0 : i32
    %add3A_29 = arith.addi %add3A_28, %mul3A_27 : i32
    %dma_start3A_30 = arith.constant 0 : i32
    %dma_start3A_31 = tpu.memref_slice %arg6[%dma_start3A_30] : memref<10240xf32, #tpu.memory_space<vmem>> -> memref<640xf32, #tpu.memory_space<vmem>>
    %dma_start3A_32 = tpu.memref_slice %arg8[%add3A_29] : memref<163840xf32, #tpu.memory_space<vmem_shared>> -> memref<640xf32, #tpu.memory_space<vmem_shared>>
    %dma_start3A_33 = arith.constant 0 : i32
    %dma_start3A_34 = tpu.memref_slice %arg6[%dma_start3A_33] : memref<10240xf32, #tpu.memory_space<vmem>> -> memref<640xf32, #tpu.memory_space<vmem>>
    %dma_start3A_35 = tpu.memref_slice %arg8[%add3A_29] : memref<163840xf32, #tpu.memory_space<vmem_shared>> -> memref<640xf32, #tpu.memory_space<vmem_shared>>
    tpu.enqueue_dma source(%dma_start3A_35 : memref<640xf32, #tpu.memory_space<vmem_shared>>) target(%dma_start3A_34 : memref<640xf32, #tpu.memory_space<vmem>>) target_semaphore(%arg10 : memref<!tpu.dma_semaphore, #tpu.memory_space<semaphore_mem>>)
    %mul3A_36 = arith.constant 640 : i32
    %mul3A_37 = arith.muli %arg1, %mul3A_36 : i32
    %add3A_38 = arith.constant 10240 : i32
    %add3A_39 = arith.addi %add3A_38, %mul3A_37 : i32
    %dma_start3A_40 = arith.constant 640 : i32
    %dma_start3A_41 = tpu.memref_slice %arg6[%dma_start3A_40] : memref<10240xf32, #tpu.memory_space<vmem>> -> memref<640xf32, #tpu.memory_space<vmem>>
    %dma_start3A_42 = tpu.memref_slice %arg8[%add3A_39] : memref<163840xf32, #tpu.memory_space<vmem_shared>> -> memref<640xf32, #tpu.memory_space<vmem_shared>>
    %dma_start3A_43 = arith.constant 640 : i32
    %dma_start3A_44 = tpu.memref_slice %arg6[%dma_start3A_43] : memref<10240xf32, #tpu.memory_space<vmem>> -> memref<640xf32, #tpu.memory_space<vmem>>
    %dma_start3A_45 = tpu.memref_slice %arg8[%add3A_39] : memref<163840xf32, #tpu.memory_space<vmem_shared>> -> memref<640xf32, #tpu.memory_space<vmem_shared>>
    tpu.enqueue_dma source(%dma_start3A_45 : memref<640xf32, #tpu.memory_space<vmem_shared>>) target(%dma_start3A_44 : memref<640xf32, #tpu.memory_space<vmem>>) target_semaphore(%arg10 : memref<!tpu.dma_semaphore, #tpu.memory_space<semaphore_mem>>)
    %mul3A_46 = arith.constant 640 : i32
    %mul3A_47 = arith.muli %arg1, %mul3A_46 : i32
    %add3A_48 = arith.constant 20480 : i32
    %add3A_49 = arith.addi %add3A_48, %mul3A_47 : i32
    %dma_start3A_50 = arith.constant 1280 : i32
    %dma_start3A_51 = tpu.memref_slice %arg6[%dma_start3A_50] : memref<10240xf32, #tpu.memory_space<vmem>> -> memref<640xf32, #tpu.memory_space<vmem>>
    %dma_start3A_52 = tpu.memref_slice %arg8[%add3A_49] : memref<163840xf32, #tpu.memory_space<vmem_shared>> -> memref<640xf32, #tpu.memory_space<vmem_shared>>
    %dma_start3A_53 = arith.constant 1280 : i32
    %dma_start3A_54 = tpu.memref_slice %arg6[%dma_start3A_53] : memref<10240xf32, #tpu.memory_space<vmem>> -> memref<640xf32, #tpu.memory_space<vmem>>
    %dma_start3A_55 = tpu.memref_slice %arg8[%add3A_49] : memref<163840xf32, #tpu.memory_space<vmem_shared>> -> memref<640xf32, #tpu.memory_space<vmem_shared>>
    tpu.enqueue_dma source(%dma_start3A_55 : memref<640xf32, #tpu.memory_space<vmem_shared>>) target(%dma_start3A_54 : memref<640xf32, #tpu.memory_space<vmem>>) target_semaphore(%arg10 : memref<!tpu.dma_semaphore, #tpu.memory_space<semaphore_mem>>)
    %mul3A_56 = arith.constant 640 : i32
    %mul3A_57 = arith.muli %arg1, %mul3A_56 : i32
    %add3A_58 = arith.constant 30720 : i32
    %add3A_59 = arith.addi %add3A_58, %mul3A_57 : i32
    %dma_start3A_60 = arith.constant 1920 : i32
    %dma_start3A_61 = tpu.memref_slice %arg6[%dma_start3A_60] : memref<10240xf32, #tpu.memory_space<vmem>> -> memref<640xf32, #tpu.memory_space<vmem>>
    %dma_start3A_62 = tpu.memref_slice %arg8[%add3A_59] : memref<163840xf32, #tpu.memory_space<vmem_shared>> -> memref<640xf32, #tpu.memory_space<vmem_shared>>
    %dma_start3A_63 = arith.constant 1920 : i32
    %dma_start3A_64 = tpu.memref_slice %arg6[%dma_start3A_63] : memref<10240xf32, #tpu.memory_space<vmem>> -> memref<640xf32, #tpu.memory_space<vmem>>
    %dma_start3A_65 = tpu.memref_slice %arg8[%add3A_59] : memref<163840xf32, #tpu.memory_space<vmem_shared>> -> memref<640xf32, #tpu.memory_space<vmem_shared>>
    tpu.enqueue_dma source(%dma_start3A_65 : memref<640xf32, #tpu.memory_space<vmem_shared>>) target(%dma_start3A_64 : memref<640xf32, #tpu.memory_space<vmem>>) target_semaphore(%arg10 : memref<!tpu.dma_semaphore, #tpu.memory_space<semaphore_mem>>)
    %mul3A_66 = arith.constant 640 : i32
    %mul3A_67 = arith.muli %arg1, %mul3A_66 : i32
    %add3A_68 = arith.constant 40960 : i32
    %add3A_69 = arith.addi %add3A_68, %mul3A_67 : i32
    %dma_start3A_70 = arith.constant 2560 : i32
    %dma_start3A_71 = tpu.memref_slice %arg6[%dma_start3A_70] : memref<10240xf32, #tpu.memory_space<vmem>> -> memref<640xf32, #tpu.memory_space<vmem>>
    %dma_start3A_72 = tpu.memref_slice %arg8[%add3A_69] : memref<163840xf32, #tpu.memory_space<vmem_shared>> -> memref<640xf32, #tpu.memory_space<vmem_shared>>
    %dma_start3A_73 = arith.constant 2560 : i32
    %dma_start3A_74 = tpu.memref_slice %arg6[%dma_start3A_73] : memref<10240xf32, #tpu.memory_space<vmem>> -> memref<640xf32, #tpu.memory_space<vmem>>
    %dma_start3A_75 = tpu.memref_slice %arg8[%add3A_69] : memref<163840xf32, #tpu.memory_space<vmem_shared>> -> memref<640xf32, #tpu.memory_space<vmem_shared>>
    tpu.enqueue_dma source(%dma_start3A_75 : memref<640xf32, #tpu.memory_space<vmem_shared>>) target(%dma_start3A_74 : memref<640xf32, #tpu.memory_space<vmem>>) target_semaphore(%arg10 : memref<!tpu.dma_semaphore, #tpu.memory_space<semaphore_mem>>)
    %mul3A_76 = arith.constant 640 : i32
    %mul3A_77 = arith.muli %arg1, %mul3A_76 : i32
    %add3A_78 = arith.constant 51200 : i32
    %add3A_79 = arith.addi %add3A_78, %mul3A_77 : i32
    %dma_start3A_80 = arith.constant 3200 : i32
    %dma_start3A_81 = tpu.memref_slice %arg6[%dma_start3A_80] : memref<10240xf32, #tpu.memory_space<vmem>> -> memref<640xf32, #tpu.memory_space<vmem>>
    %dma_start3A_82 = tpu.memref_slice %arg8[%add3A_79] : memref<163840xf32, #tpu.memory_space<vmem_shared>> -> memref<640xf32, #tpu.memory_space<vmem_shared>>
    %dma_start3A_83 = arith.constant 3200 : i32
    %dma_start3A_84 = tpu.memref_slice %arg6[%dma_start3A_83] : memref<10240xf32, #tpu.memory_space<vmem>> -> memref<640xf32, #tpu.memory_space<vmem>>
    %dma_start3A_85 = tpu.memref_slice %arg8[%add3A_79] : memref<163840xf32, #tpu.memory_space<vmem_shared>> -> memref<640xf32, #tpu.memory_space<vmem_shared>>
    tpu.enqueue_dma source(%dma_start3A_85 : memref<640xf32, #tpu.memory_space<vmem_shared>>) target(%dma_start3A_84 : memref<640xf32, #tpu.memory_space<vmem>>) target_semaphore(%arg10 : memref<!tpu.dma_semaphore, #tpu.memory_space<semaphore_mem>>)
    %mul3A_86 = arith.constant 640 : i32
    %mul3A_87 = arith.muli %arg1, %mul3A_86 : i32
    %add3A_88 = arith.constant 61440 : i32
    %add3A_89 = arith.addi %add3A_88, %mul3A_87 : i32
    %dma_start3A_90 = arith.constant 3840 : i32
    %dma_start3A_91 = tpu.memref_slice %arg6[%dma_start3A_90] : memref<10240xf32, #tpu.memory_space<vmem>> -> memref<640xf32, #tpu.memory_space<vmem>>
    %dma_start3A_92 = tpu.memref_slice %arg8[%add3A_89] : memref<163840xf32, #tpu.memory_space<vmem_shared>> -> memref<640xf32, #tpu.memory_space<vmem_shared>>
    %dma_start3A_93 = arith.constant 3840 : i32
    %dma_start3A_94 = tpu.memref_slice %arg6[%dma_start3A_93] : memref<10240xf32, #tpu.memory_space<vmem>> -> memref<640xf32, #tpu.memory_space<vmem>>
    %dma_start3A_95 = tpu.memref_slice %arg8[%add3A_89] : memref<163840xf32, #tpu.memory_space<vmem_shared>> -> memref<640xf32, #tpu.memory_space<vmem_shared>>
    tpu.enqueue_dma source(%dma_start3A_95 : memref<640xf32, #tpu.memory_space<vmem_shared>>) target(%dma_start3A_94 : memref<640xf32, #tpu.memory_space<vmem>>) target_semaphore(%arg10 : memref<!tpu.dma_semaphore, #tpu.memory_space<semaphore_mem>>)
    %mul3A_96 = arith.constant 640 : i32
    %mul3A_97 = arith.muli %arg1, %mul3A_96 : i32
    %add3A_98 = arith.constant 71680 : i32
    %add3A_99 = arith.addi %add3A_98, %mul3A_97 : i32
    %dma_start3A_100 = arith.constant 4480 : i32
    %dma_start3A_101 = tpu.memref_slice %arg6[%dma_start3A_100] : memref<10240xf32, #tpu.memory_space<vmem>> -> memref<640xf32, #tpu.memory_space<vmem>>
    %dma_start3A_102 = tpu.memref_slice %arg8[%add3A_99] : memref<163840xf32, #tpu.memory_space<vmem_shared>> -> memref<640xf32, #tpu.memory_space<vmem_shared>>
    %dma_start3A_103 = arith.constant 4480 : i32
    %dma_start3A_104 = tpu.memref_slice %arg6[%dma_start3A_103] : memref<10240xf32, #tpu.memory_space<vmem>> -> memref<640xf32, #tpu.memory_space<vmem>>
    %dma_start3A_105 = tpu.memref_slice %arg8[%add3A_99] : memref<163840xf32, #tpu.memory_space<vmem_shared>> -> memref<640xf32, #tpu.memory_space<vmem_shared>>
    tpu.enqueue_dma source(%dma_start3A_105 : memref<640xf32, #tpu.memory_space<vmem_shared>>) target(%dma_start3A_104 : memref<640xf32, #tpu.memory_space<vmem>>) target_semaphore(%arg10 : memref<!tpu.dma_semaphore, #tpu.memory_space<semaphore_mem>>)
    %mul3A_106 = arith.constant 640 : i32
    %mul3A_107 = arith.muli %arg1, %mul3A_106 : i32
    %add3A_108 = arith.constant 81920 : i32
    %add3A_109 = arith.addi %add3A_108, %mul3A_107 : i32
    %dma_start3A_110 = arith.constant 5120 : i32
    %dma_start3A_111 = tpu.memref_slice %arg6[%dma_start3A_110] : memref<10240xf32, #tpu.memory_space<vmem>> -> memref<640xf32, #tpu.memory_space<vmem>>
    %dma_start3A_112 = tpu.memref_slice %arg8[%add3A_109] : memref<163840xf32, #tpu.memory_space<vmem_shared>> -> memref<640xf32, #tpu.memory_space<vmem_shared>>
    %dma_start3A_113 = arith.constant 5120 : i32
    %dma_start3A_114 = tpu.memref_slice %arg6[%dma_start3A_113] : memref<10240xf32, #tpu.memory_space<vmem>> -> memref<640xf32, #tpu.memory_space<vmem>>
    %dma_start3A_115 = tpu.memref_slice %arg8[%add3A_109] : memref<163840xf32, #tpu.memory_space<vmem_shared>> -> memref<640xf32, #tpu.memory_space<vmem_shared>>
    tpu.enqueue_dma source(%dma_start3A_115 : memref<640xf32, #tpu.memory_space<vmem_shared>>) target(%dma_start3A_114 : memref<640xf32, #tpu.memory_space<vmem>>) target_semaphore(%arg10 : memref<!tpu.dma_semaphore, #tpu.memory_space<semaphore_mem>>)
    %mul3A_116 = arith.constant 640 : i32
    %mul3A_117 = arith.muli %arg1, %mul3A_116 : i32
    %add3A_118 = arith.constant 92160 : i32
    %add3A_119 = arith.addi %add3A_118, %mul3A_117 : i32
    %dma_start3A_120 = arith.constant 5760 : i32
    %dma_start3A_121 = tpu.memref_slice %arg6[%dma_start3A_120] : memref<10240xf32, #tpu.memory_space<vmem>> -> memref<640xf32, #tpu.memory_space<vmem>>
    %dma_start3A_122 = tpu.memref_slice %arg8[%add3A_119] : memref<163840xf32, #tpu.memory_space<vmem_shared>> -> memref<640xf32, #tpu.memory_space<vmem_shared>>
    %dma_start3A_123 = arith.constant 5760 : i32
    %dma_start3A_124 = tpu.memref_slice %arg6[%dma_start3A_123] : memref<10240xf32, #tpu.memory_space<vmem>> -> memref<640xf32, #tpu.memory_space<vmem>>
    %dma_start3A_125 = tpu.memref_slice %arg8[%add3A_119] : memref<163840xf32, #tpu.memory_space<vmem_shared>> -> memref<640xf32, #tpu.memory_space<vmem_shared>>
    tpu.enqueue_dma source(%dma_start3A_125 : memref<640xf32, #tpu.memory_space<vmem_shared>>) target(%dma_start3A_124 : memref<640xf32, #tpu.memory_space<vmem>>) target_semaphore(%arg10 : memref<!tpu.dma_semaphore, #tpu.memory_space<semaphore_mem>>)
    %mul3A_126 = arith.constant 640 : i32
    %mul3A_127 = arith.muli %arg1, %mul3A_126 : i32
    %add3A_128 = arith.constant 102400 : i32
    %add3A_129 = arith.addi %add3A_128, %mul3A_127 : i32
    %dma_start3A_130 = arith.constant 6400 : i32
    %dma_start3A_131 = tpu.memref_slice %arg6[%dma_start3A_130] : memref<10240xf32, #tpu.memory_space<vmem>> -> memref<640xf32, #tpu.memory_space<vmem>>
    %dma_start3A_132 = tpu.memref_slice %arg8[%add3A_129] : memref<163840xf32, #tpu.memory_space<vmem_shared>> -> memref<640xf32, #tpu.memory_space<vmem_shared>>
    %dma_start3A_133 = arith.constant 6400 : i32
    %dma_start3A_134 = tpu.memref_slice %arg6[%dma_start3A_133] : memref<10240xf32, #tpu.memory_space<vmem>> -> memref<640xf32, #tpu.memory_space<vmem>>
    %dma_start3A_135 = tpu.memref_slice %arg8[%add3A_129] : memref<163840xf32, #tpu.memory_space<vmem_shared>> -> memref<640xf32, #tpu.memory_space<vmem_shared>>
    tpu.enqueue_dma source(%dma_start3A_135 : memref<640xf32, #tpu.memory_space<vmem_shared>>) target(%dma_start3A_134 : memref<640xf32, #tpu.memory_space<vmem>>) target_semaphore(%arg10 : memref<!tpu.dma_semaphore, #tpu.memory_space<semaphore_mem>>)
    %mul3A_136 = arith.constant 640 : i32
    %mul3A_137 = arith.muli %arg1, %mul3A_136 : i32
    %add3A_138 = arith.constant 112640 : i32
    %add3A_139 = arith.addi %add3A_138, %mul3A_137 : i32
    %dma_start3A_140 = arith.constant 7040 : i32
    %dma_start3A_141 = tpu.memref_slice %arg6[%dma_start3A_140] : memref<10240xf32, #tpu.memory_space<vmem>> -> memref<640xf32, #tpu.memory_space<vmem>>
    %dma_start3A_142 = tpu.memref_slice %arg8[%add3A_139] : memref<163840xf32, #tpu.memory_space<vmem_shared>> -> memref<640xf32, #tpu.memory_space<vmem_shared>>
    %dma_start3A_143 = arith.constant 7040 : i32
    %dma_start3A_144 = tpu.memref_slice %arg6[%dma_start3A_143] : memref<10240xf32, #tpu.memory_space<vmem>> -> memref<640xf32, #tpu.memory_space<vmem>>
    %dma_start3A_145 = tpu.memref_slice %arg8[%add3A_139] : memref<163840xf32, #tpu.memory_space<vmem_shared>> -> memref<640xf32, #tpu.memory_space<vmem_shared>>
    tpu.enqueue_dma source(%dma_start3A_145 : memref<640xf32, #tpu.memory_space<vmem_shared>>) target(%dma_start3A_144 : memref<640xf32, #tpu.memory_space<vmem>>) target_semaphore(%arg10 : memref<!tpu.dma_semaphore, #tpu.memory_space<semaphore_mem>>)
    %mul3A_146 = arith.constant 640 : i32
    %mul3A_147 = arith.muli %arg1, %mul3A_146 : i32
    %add3A_148 = arith.constant 122880 : i32
    %add3A_149 = arith.addi %add3A_148, %mul3A_147 : i32
    %dma_start3A_150 = arith.constant 7680 : i32
    %dma_start3A_151 = tpu.memref_slice %arg6[%dma_start3A_150] : memref<10240xf32, #tpu.memory_space<vmem>> -> memref<640xf32, #tpu.memory_space<vmem>>
    %dma_start3A_152 = tpu.memref_slice %arg8[%add3A_149] : memref<163840xf32, #tpu.memory_space<vmem_shared>> -> memref<640xf32, #tpu.memory_space<vmem_shared>>
    %dma_start3A_153 = arith.constant 7680 : i32
    %dma_start3A_154 = tpu.memref_slice %arg6[%dma_start3A_153] : memref<10240xf32, #tpu.memory_space<vmem>> -> memref<640xf32, #tpu.memory_space<vmem>>
    %dma_start3A_155 = tpu.memref_slice %arg8[%add3A_149] : memref<163840xf32, #tpu.memory_space<vmem_shared>> -> memref<640xf32, #tpu.memory_space<vmem_shared>>
    tpu.enqueue_dma source(%dma_start3A_155 : memref<640xf32, #tpu.memory_space<vmem_shared>>) target(%dma_start3A_154 : memref<640xf32, #tpu.memory_space<vmem>>) target_semaphore(%arg10 : memref<!tpu.dma_semaphore, #tpu.memory_space<semaphore_mem>>)
    %mul3A_156 = arith.constant 640 : i32
    %mul3A_157 = arith.muli %arg1, %mul3A_156 : i32
    %add3A_158 = arith.constant 133120 : i32
    %add3A_159 = arith.addi %add3A_158, %mul3A_157 : i32
    %dma_start3A_160 = arith.constant 8320 : i32
    %dma_start3A_161 = tpu.memref_slice %arg6[%dma_start3A_160] : memref<10240xf32, #tpu.memory_space<vmem>> -> memref<640xf32, #tpu.memory_space<vmem>>
    %dma_start3A_162 = tpu.memref_slice %arg8[%add3A_159] : memref<163840xf32, #tpu.memory_space<vmem_shared>> -> memref<640xf32, #tpu.memory_space<vmem_shared>>
    %dma_start3A_163 = arith.constant 8320 : i32
    %dma_start3A_164 = tpu.memref_slice %arg6[%dma_start3A_163] : memref<10240xf32, #tpu.memory_space<vmem>> -> memref<640xf32, #tpu.memory_space<vmem>>
    %dma_start3A_165 = tpu.memref_slice %arg8[%add3A_159] : memref<163840xf32, #tpu.memory_space<vmem_shared>> -> memref<640xf32, #tpu.memory_space<vmem_shared>>
    tpu.enqueue_dma source(%dma_start3A_165 : memref<640xf32, #tpu.memory_space<vmem_shared>>) target(%dma_start3A_164 : memref<640xf32, #tpu.memory_space<vmem>>) target_semaphore(%arg10 : memref<!tpu.dma_semaphore, #tpu.memory_space<semaphore_mem>>)
    %mul3A_166 = arith.constant 640 : i32
    %mul3A_167 = arith.muli %arg1, %mul3A_166 : i32
    %add3A_168 = arith.constant 143360 : i32
    %add3A_169 = arith.addi %add3A_168, %mul3A_167 : i32
    %dma_start3A_170 = arith.constant 8960 : i32
    %dma_start3A_171 = tpu.memref_slice %arg6[%dma_start3A_170] : memref<10240xf32, #tpu.memory_space<vmem>> -> memref<640xf32, #tpu.memory_space<vmem>>
    %dma_start3A_172 = tpu.memref_slice %arg8[%add3A_169] : memref<163840xf32, #tpu.memory_space<vmem_shared>> -> memref<640xf32, #tpu.memory_space<vmem_shared>>
    %dma_start3A_173 = arith.constant 8960 : i32
    %dma_start3A_174 = tpu.memref_slice %arg6[%dma_start3A_173] : memref<10240xf32, #tpu.memory_space<vmem>> -> memref<640xf32, #tpu.memory_space<vmem>>
    %dma_start3A_175 = tpu.memref_slice %arg8[%add3A_169] : memref<163840xf32, #tpu.memory_space<vmem_shared>> -> memref<640xf32, #tpu.memory_space<vmem_shared>>
    tpu.enqueue_dma source(%dma_start3A_175 : memref<640xf32, #tpu.memory_space<vmem_shared>>) target(%dma_start3A_174 : memref<640xf32, #tpu.memory_space<vmem>>) target_semaphore(%arg10 : memref<!tpu.dma_semaphore, #tpu.memory_space<semaphore_mem>>)
    %mul3A_176 = arith.constant 640 : i32
    %mul3A_177 = arith.muli %arg1, %mul3A_176 : i32
    %add3A_178 = arith.constant 153600 : i32
    %add3A_179 = arith.addi %add3A_178, %mul3A_177 : i32
    %dma_start3A_180 = arith.constant 9600 : i32
    %dma_start3A_181 = tpu.memref_slice %arg6[%dma_start3A_180] : memref<10240xf32, #tpu.memory_space<vmem>> -> memref<640xf32, #tpu.memory_space<vmem>>
    %dma_start3A_182 = tpu.memref_slice %arg8[%add3A_179] : memref<163840xf32, #tpu.memory_space<vmem_shared>> -> memref<640xf32, #tpu.memory_space<vmem_shared>>
    %dma_start3A_183 = arith.constant 9600 : i32
    %dma_start3A_184 = tpu.memref_slice %arg6[%dma_start3A_183] : memref<10240xf32, #tpu.memory_space<vmem>> -> memref<640xf32, #tpu.memory_space<vmem>>
    %dma_start3A_185 = tpu.memref_slice %arg8[%add3A_179] : memref<163840xf32, #tpu.memory_space<vmem_shared>> -> memref<640xf32, #tpu.memory_space<vmem_shared>>
    tpu.enqueue_dma source(%dma_start3A_185 : memref<640xf32, #tpu.memory_space<vmem_shared>>) target(%dma_start3A_184 : memref<640xf32, #tpu.memory_space<vmem>>) target_semaphore(%arg10 : memref<!tpu.dma_semaphore, #tpu.memory_space<semaphore_mem>>)
    %dma_wait3A_186 = arith.constant 0 : i32
    %dma_wait3A_187 = tpu.memref_slice %arg6[%dma_wait3A_186] : memref<10240xf32, #tpu.memory_space<vmem>> -> memref<640xf32, #tpu.memory_space<vmem>>
    %dma_wait3A_188 = tpu.memref_slice %arg8[%add3A_29] : memref<163840xf32, #tpu.memory_space<vmem_shared>> -> memref<640xf32, #tpu.memory_space<vmem_shared>>
    %dma_wait3A_189 = arith.constant 0 : i32
    %dma_wait3A_190 = tpu.memref_slice %arg6[%dma_wait3A_189] : memref<10240xf32, #tpu.memory_space<vmem>> -> memref<640xf32, #tpu.memory_space<vmem>>
    %dma_wait3A_191 = tpu.memref_slice %arg8[%add3A_29] : memref<163840xf32, #tpu.memory_space<vmem_shared>> -> memref<640xf32, #tpu.memory_space<vmem_shared>>
    tpu.wait_dma2 semaphore(%arg10 : memref<!tpu.dma_semaphore, #tpu.memory_space<semaphore_mem>>) src(%dma_wait3A_191 : memref<640xf32, #tpu.memory_space<vmem_shared>>) dst(%dma_wait3A_190 : memref<640xf32, #tpu.memory_space<vmem>>)
    %dma_wait3A_192 = arith.constant 640 : i32
    %dma_wait3A_193 = tpu.memref_slice %arg6[%dma_wait3A_192] : memref<10240xf32, #tpu.memory_space<vmem>> -> memref<640xf32, #tpu.memory_space<vmem>>
    %dma_wait3A_194 = tpu.memref_slice %arg8[%add3A_39] : memref<163840xf32, #tpu.memory_space<vmem_shared>> -> memref<640xf32, #tpu.memory_space<vmem_shared>>
    %dma_wait3A_195 = arith.constant 640 : i32
    %dma_wait3A_196 = tpu.memref_slice %arg6[%dma_wait3A_195] : memref<10240xf32, #tpu.memory_space<vmem>> -> memref<640xf32, #tpu.memory_space<vmem>>
    %dma_wait3A_197 = tpu.memref_slice %arg8[%add3A_39] : memref<163840xf32, #tpu.memory_space<vmem_shared>> -> memref<640xf32, #tpu.memory_space<vmem_shared>>
    tpu.wait_dma2 semaphore(%arg10 : memref<!tpu.dma_semaphore, #tpu.memory_space<semaphore_mem>>) src(%dma_wait3A_197 : memref<640xf32, #tpu.memory_space<vmem_shared>>) dst(%dma_wait3A_196 : memref<640xf32, #tpu.memory_space<vmem>>)
    %dma_wait3A_198 = arith.constant 1280 : i32
    %dma_wait3A_199 = tpu.memref_slice %arg6[%dma_wait3A_198] : memref<10240xf32, #tpu.memory_space<vmem>> -> memref<640xf32, #tpu.memory_space<vmem>>
    %dma_wait3A_200 = tpu.memref_slice %arg8[%add3A_49] : memref<163840xf32, #tpu.memory_space<vmem_shared>> -> memref<640xf32, #tpu.memory_space<vmem_shared>>
    %dma_wait3A_201 = arith.constant 1280 : i32
    %dma_wait3A_202 = tpu.memref_slice %arg6[%dma_wait3A_201] : memref<10240xf32, #tpu.memory_space<vmem>> -> memref<640xf32, #tpu.memory_space<vmem>>
    %dma_wait3A_203 = tpu.memref_slice %arg8[%add3A_49] : memref<163840xf32, #tpu.memory_space<vmem_shared>> -> memref<640xf32, #tpu.memory_space<vmem_shared>>
    tpu.wait_dma2 semaphore(%arg10 : memref<!tpu.dma_semaphore, #tpu.memory_space<semaphore_mem>>) src(%dma_wait3A_203 : memref<640xf32, #tpu.memory_space<vmem_shared>>) dst(%dma_wait3A_202 : memref<640xf32, #tpu.memory_space<vmem>>)
    %dma_wait3A_204 = arith.constant 1920 : i32
    %dma_wait3A_205 = tpu.memref_slice %arg6[%dma_wait3A_204] : memref<10240xf32, #tpu.memory_space<vmem>> -> memref<640xf32, #tpu.memory_space<vmem>>
    %dma_wait3A_206 = tpu.memref_slice %arg8[%add3A_59] : memref<163840xf32, #tpu.memory_space<vmem_shared>> -> memref<640xf32, #tpu.memory_space<vmem_shared>>
    %dma_wait3A_207 = arith.constant 1920 : i32
    %dma_wait3A_208 = tpu.memref_slice %arg6[%dma_wait3A_207] : memref<10240xf32, #tpu.memory_space<vmem>> -> memref<640xf32, #tpu.memory_space<vmem>>
    %dma_wait3A_209 = tpu.memref_slice %arg8[%add3A_59] : memref<163840xf32, #tpu.memory_space<vmem_shared>> -> memref<640xf32, #tpu.memory_space<vmem_shared>>
    tpu.wait_dma2 semaphore(%arg10 : memref<!tpu.dma_semaphore, #tpu.memory_space<semaphore_mem>>) src(%dma_wait3A_209 : memref<640xf32, #tpu.memory_space<vmem_shared>>) dst(%dma_wait3A_208 : memref<640xf32, #tpu.memory_space<vmem>>)
    %dma_wait3A_210 = arith.constant 2560 : i32
    %dma_wait3A_211 = tpu.memref_slice %arg6[%dma_wait3A_210] : memref<10240xf32, #tpu.memory_space<vmem>> -> memref<640xf32, #tpu.memory_space<vmem>>
    %dma_wait3A_212 = tpu.memref_slice %arg8[%add3A_69] : memref<163840xf32, #tpu.memory_space<vmem_shared>> -> memref<640xf32, #tpu.memory_space<vmem_shared>>
    %dma_wait3A_213 = arith.constant 2560 : i32
    %dma_wait3A_214 = tpu.memref_slice %arg6[%dma_wait3A_213] : memref<10240xf32, #tpu.memory_space<vmem>> -> memref<640xf32, #tpu.memory_space<vmem>>
    %dma_wait3A_215 = tpu.memref_slice %arg8[%add3A_69] : memref<163840xf32, #tpu.memory_space<vmem_shared>> -> memref<640xf32, #tpu.memory_space<vmem_shared>>
    tpu.wait_dma2 semaphore(%arg10 : memref<!tpu.dma_semaphore, #tpu.memory_space<semaphore_mem>>) src(%dma_wait3A_215 : memref<640xf32, #tpu.memory_space<vmem_shared>>) dst(%dma_wait3A_214 : memref<640xf32, #tpu.memory_space<vmem>>)
    %dma_wait3A_216 = arith.constant 3200 : i32
    %dma_wait3A_217 = tpu.memref_slice %arg6[%dma_wait3A_216] : memref<10240xf32, #tpu.memory_space<vmem>> -> memref<640xf32, #tpu.memory_space<vmem>>
    %dma_wait3A_218 = tpu.memref_slice %arg8[%add3A_79] : memref<163840xf32, #tpu.memory_space<vmem_shared>> -> memref<640xf32, #tpu.memory_space<vmem_shared>>
    %dma_wait3A_219 = arith.constant 3200 : i32
    %dma_wait3A_220 = tpu.memref_slice %arg6[%dma_wait3A_219] : memref<10240xf32, #tpu.memory_space<vmem>> -> memref<640xf32, #tpu.memory_space<vmem>>
    %dma_wait3A_221 = tpu.memref_slice %arg8[%add3A_79] : memref<163840xf32, #tpu.memory_space<vmem_shared>> -> memref<640xf32, #tpu.memory_space<vmem_shared>>
    tpu.wait_dma2 semaphore(%arg10 : memref<!tpu.dma_semaphore, #tpu.memory_space<semaphore_mem>>) src(%dma_wait3A_221 : memref<640xf32, #tpu.memory_space<vmem_shared>>) dst(%dma_wait3A_220 : memref<640xf32, #tpu.memory_space<vmem>>)
    %dma_wait3A_222 = arith.constant 3840 : i32
    %dma_wait3A_223 = tpu.memref_slice %arg6[%dma_wait3A_222] : memref<10240xf32, #tpu.memory_space<vmem>> -> memref<640xf32, #tpu.memory_space<vmem>>
    %dma_wait3A_224 = tpu.memref_slice %arg8[%add3A_89] : memref<163840xf32, #tpu.memory_space<vmem_shared>> -> memref<640xf32, #tpu.memory_space<vmem_shared>>
    %dma_wait3A_225 = arith.constant 3840 : i32
    %dma_wait3A_226 = tpu.memref_slice %arg6[%dma_wait3A_225] : memref<10240xf32, #tpu.memory_space<vmem>> -> memref<640xf32, #tpu.memory_space<vmem>>
    %dma_wait3A_227 = tpu.memref_slice %arg8[%add3A_89] : memref<163840xf32, #tpu.memory_space<vmem_shared>> -> memref<640xf32, #tpu.memory_space<vmem_shared>>
    tpu.wait_dma2 semaphore(%arg10 : memref<!tpu.dma_semaphore, #tpu.memory_space<semaphore_mem>>) src(%dma_wait3A_227 : memref<640xf32, #tpu.memory_space<vmem_shared>>) dst(%dma_wait3A_226 : memref<640xf32, #tpu.memory_space<vmem>>)
    %dma_wait3A_228 = arith.constant 4480 : i32
    %dma_wait3A_229 = tpu.memref_slice %arg6[%dma_wait3A_228] : memref<10240xf32, #tpu.memory_space<vmem>> -> memref<640xf32, #tpu.memory_space<vmem>>
    %dma_wait3A_230 = tpu.memref_slice %arg8[%add3A_99] : memref<163840xf32, #tpu.memory_space<vmem_shared>> -> memref<640xf32, #tpu.memory_space<vmem_shared>>
    %dma_wait3A_231 = arith.constant 4480 : i32
    %dma_wait3A_232 = tpu.memref_slice %arg6[%dma_wait3A_231] : memref<10240xf32, #tpu.memory_space<vmem>> -> memref<640xf32, #tpu.memory_space<vmem>>
    %dma_wait3A_233 = tpu.memref_slice %arg8[%add3A_99] : memref<163840xf32, #tpu.memory_space<vmem_shared>> -> memref<640xf32, #tpu.memory_space<vmem_shared>>
    tpu.wait_dma2 semaphore(%arg10 : memref<!tpu.dma_semaphore, #tpu.memory_space<semaphore_mem>>) src(%dma_wait3A_233 : memref<640xf32, #tpu.memory_space<vmem_shared>>) dst(%dma_wait3A_232 : memref<640xf32, #tpu.memory_space<vmem>>)
    %dma_wait3A_234 = arith.constant 5120 : i32
    %dma_wait3A_235 = tpu.memref_slice %arg6[%dma_wait3A_234] : memref<10240xf32, #tpu.memory_space<vmem>> -> memref<640xf32, #tpu.memory_space<vmem>>
    %dma_wait3A_236 = tpu.memref_slice %arg8[%add3A_109] : memref<163840xf32, #tpu.memory_space<vmem_shared>> -> memref<640xf32, #tpu.memory_space<vmem_shared>>
    %dma_wait3A_237 = arith.constant 5120 : i32
    %dma_wait3A_238 = tpu.memref_slice %arg6[%dma_wait3A_237] : memref<10240xf32, #tpu.memory_space<vmem>> -> memref<640xf32, #tpu.memory_space<vmem>>
    %dma_wait3A_239 = tpu.memref_slice %arg8[%add3A_109] : memref<163840xf32, #tpu.memory_space<vmem_shared>> -> memref<640xf32, #tpu.memory_space<vmem_shared>>
    tpu.wait_dma2 semaphore(%arg10 : memref<!tpu.dma_semaphore, #tpu.memory_space<semaphore_mem>>) src(%dma_wait3A_239 : memref<640xf32, #tpu.memory_space<vmem_shared>>) dst(%dma_wait3A_238 : memref<640xf32, #tpu.memory_space<vmem>>)
    %dma_wait3A_240 = arith.constant 5760 : i32
    %dma_wait3A_241 = tpu.memref_slice %arg6[%dma_wait3A_240] : memref<10240xf32, #tpu.memory_space<vmem>> -> memref<640xf32, #tpu.memory_space<vmem>>
    %dma_wait3A_242 = tpu.memref_slice %arg8[%add3A_119] : memref<163840xf32, #tpu.memory_space<vmem_shared>> -> memref<640xf32, #tpu.memory_space<vmem_shared>>
    %dma_wait3A_243 = arith.constant 5760 : i32
    %dma_wait3A_244 = tpu.memref_slice %arg6[%dma_wait3A_243] : memref<10240xf32, #tpu.memory_space<vmem>> -> memref<640xf32, #tpu.memory_space<vmem>>
    %dma_wait3A_245 = tpu.memref_slice %arg8[%add3A_119] : memref<163840xf32, #tpu.memory_space<vmem_shared>> -> memref<640xf32, #tpu.memory_space<vmem_shared>>
    tpu.wait_dma2 semaphore(%arg10 : memref<!tpu.dma_semaphore, #tpu.memory_space<semaphore_mem>>) src(%dma_wait3A_245 : memref<640xf32, #tpu.memory_space<vmem_shared>>) dst(%dma_wait3A_244 : memref<640xf32, #tpu.memory_space<vmem>>)
    %dma_wait3A_246 = arith.constant 6400 : i32
    %dma_wait3A_247 = tpu.memref_slice %arg6[%dma_wait3A_246] : memref<10240xf32, #tpu.memory_space<vmem>> -> memref<640xf32, #tpu.memory_space<vmem>>
    %dma_wait3A_248 = tpu.memref_slice %arg8[%add3A_129] : memref<163840xf32, #tpu.memory_space<vmem_shared>> -> memref<640xf32, #tpu.memory_space<vmem_shared>>
    %dma_wait3A_249 = arith.constant 6400 : i32
    %dma_wait3A_250 = tpu.memref_slice %arg6[%dma_wait3A_249] : memref<10240xf32, #tpu.memory_space<vmem>> -> memref<640xf32, #tpu.memory_space<vmem>>
    %dma_wait3A_251 = tpu.memref_slice %arg8[%add3A_129] : memref<163840xf32, #tpu.memory_space<vmem_shared>> -> memref<640xf32, #tpu.memory_space<vmem_shared>>
    tpu.wait_dma2 semaphore(%arg10 : memref<!tpu.dma_semaphore, #tpu.memory_space<semaphore_mem>>) src(%dma_wait3A_251 : memref<640xf32, #tpu.memory_space<vmem_shared>>) dst(%dma_wait3A_250 : memref<640xf32, #tpu.memory_space<vmem>>)
    %dma_wait3A_252 = arith.constant 7040 : i32
    %dma_wait3A_253 = tpu.memref_slice %arg6[%dma_wait3A_252] : memref<10240xf32, #tpu.memory_space<vmem>> -> memref<640xf32, #tpu.memory_space<vmem>>
    %dma_wait3A_254 = tpu.memref_slice %arg8[%add3A_139] : memref<163840xf32, #tpu.memory_space<vmem_shared>> -> memref<640xf32, #tpu.memory_space<vmem_shared>>
    %dma_wait3A_255 = arith.constant 7040 : i32
    %dma_wait3A_256 = tpu.memref_slice %arg6[%dma_wait3A_255] : memref<10240xf32, #tpu.memory_space<vmem>> -> memref<640xf32, #tpu.memory_space<vmem>>
    %dma_wait3A_257 = tpu.memref_slice %arg8[%add3A_139] : memref<163840xf32, #tpu.memory_space<vmem_shared>> -> memref<640xf32, #tpu.memory_space<vmem_shared>>
    tpu.wait_dma2 semaphore(%arg10 : memref<!tpu.dma_semaphore, #tpu.memory_space<semaphore_mem>>) src(%dma_wait3A_257 : memref<640xf32, #tpu.memory_space<vmem_shared>>) dst(%dma_wait3A_256 : memref<640xf32, #tpu.memory_space<vmem>>)
    %dma_wait3A_258 = arith.constant 7680 : i32
    %dma_wait3A_259 = tpu.memref_slice %arg6[%dma_wait3A_258] : memref<10240xf32, #tpu.memory_space<vmem>> -> memref<640xf32, #tpu.memory_space<vmem>>
    %dma_wait3A_260 = tpu.memref_slice %arg8[%add3A_149] : memref<163840xf32, #tpu.memory_space<vmem_shared>> -> memref<640xf32, #tpu.memory_space<vmem_shared>>
    %dma_wait3A_261 = arith.constant 7680 : i32
    %dma_wait3A_262 = tpu.memref_slice %arg6[%dma_wait3A_261] : memref<10240xf32, #tpu.memory_space<vmem>> -> memref<640xf32, #tpu.memory_space<vmem>>
    %dma_wait3A_263 = tpu.memref_slice %arg8[%add3A_149] : memref<163840xf32, #tpu.memory_space<vmem_shared>> -> memref<640xf32, #tpu.memory_space<vmem_shared>>
    tpu.wait_dma2 semaphore(%arg10 : memref<!tpu.dma_semaphore, #tpu.memory_space<semaphore_mem>>) src(%dma_wait3A_263 : memref<640xf32, #tpu.memory_space<vmem_shared>>) dst(%dma_wait3A_262 : memref<640xf32, #tpu.memory_space<vmem>>)
    %dma_wait3A_264 = arith.constant 8320 : i32
    %dma_wait3A_265 = tpu.memref_slice %arg6[%dma_wait3A_264] : memref<10240xf32, #tpu.memory_space<vmem>> -> memref<640xf32, #tpu.memory_space<vmem>>
    %dma_wait3A_266 = tpu.memref_slice %arg8[%add3A_159] : memref<163840xf32, #tpu.memory_space<vmem_shared>> -> memref<640xf32, #tpu.memory_space<vmem_shared>>
    %dma_wait3A_267 = arith.constant 8320 : i32
    %dma_wait3A_268 = tpu.memref_slice %arg6[%dma_wait3A_267] : memref<10240xf32, #tpu.memory_space<vmem>> -> memref<640xf32, #tpu.memory_space<vmem>>
    %dma_wait3A_269 = tpu.memref_slice %arg8[%add3A_159] : memref<163840xf32, #tpu.memory_space<vmem_shared>> -> memref<640xf32, #tpu.memory_space<vmem_shared>>
    tpu.wait_dma2 semaphore(%arg10 : memref<!tpu.dma_semaphore, #tpu.memory_space<semaphore_mem>>) src(%dma_wait3A_269 : memref<640xf32, #tpu.memory_space<vmem_shared>>) dst(%dma_wait3A_268 : memref<640xf32, #tpu.memory_space<vmem>>)
    %dma_wait3A_270 = arith.constant 8960 : i32
    %dma_wait3A_271 = tpu.memref_slice %arg6[%dma_wait3A_270] : memref<10240xf32, #tpu.memory_space<vmem>> -> memref<640xf32, #tpu.memory_space<vmem>>
    %dma_wait3A_272 = tpu.memref_slice %arg8[%add3A_169] : memref<163840xf32, #tpu.memory_space<vmem_shared>> -> memref<640xf32, #tpu.memory_space<vmem_shared>>
    %dma_wait3A_273 = arith.constant 8960 : i32
    %dma_wait3A_274 = tpu.memref_slice %arg6[%dma_wait3A_273] : memref<10240xf32, #tpu.memory_space<vmem>> -> memref<640xf32, #tpu.memory_space<vmem>>
    %dma_wait3A_275 = tpu.memref_slice %arg8[%add3A_169] : memref<163840xf32, #tpu.memory_space<vmem_shared>> -> memref<640xf32, #tpu.memory_space<vmem_shared>>
    tpu.wait_dma2 semaphore(%arg10 : memref<!tpu.dma_semaphore, #tpu.memory_space<semaphore_mem>>) src(%dma_wait3A_275 : memref<640xf32, #tpu.memory_space<vmem_shared>>) dst(%dma_wait3A_274 : memref<640xf32, #tpu.memory_space<vmem>>)
    %dma_wait3A_276 = arith.constant 9600 : i32
    %dma_wait3A_277 = tpu.memref_slice %arg6[%dma_wait3A_276] : memref<10240xf32, #tpu.memory_space<vmem>> -> memref<640xf32, #tpu.memory_space<vmem>>
    %dma_wait3A_278 = tpu.memref_slice %arg8[%add3A_179] : memref<163840xf32, #tpu.memory_space<vmem_shared>> -> memref<640xf32, #tpu.memory_space<vmem_shared>>
    %dma_wait3A_279 = arith.constant 9600 : i32
    %dma_wait3A_280 = tpu.memref_slice %arg6[%dma_wait3A_279] : memref<10240xf32, #tpu.memory_space<vmem>> -> memref<640xf32, #tpu.memory_space<vmem>>
    %dma_wait3A_281 = tpu.memref_slice %arg8[%add3A_179] : memref<163840xf32, #tpu.memory_space<vmem_shared>> -> memref<640xf32, #tpu.memory_space<vmem_shared>>
    tpu.wait_dma2 semaphore(%arg10 : memref<!tpu.dma_semaphore, #tpu.memory_space<semaphore_mem>>) src(%dma_wait3A_281 : memref<640xf32, #tpu.memory_space<vmem_shared>>) dst(%dma_wait3A_280 : memref<640xf32, #tpu.memory_space<vmem>>)
    %scan3A_282 = arith.constant 0 : i32
    %scan3A_283 = arith.constant 0 : i32
    %scan3A_284 = arith.constant 40 : i32
    %scan3A_285 = arith.addi %scan3A_283, %scan3A_284 : i32
    %scan3A_286 = arith.constant 4 : i32
    scf.for %scan3A_293 = %scan3A_283 to %scan3A_285 step %scan3A_286  : i32 {
      %mul3A_294 = arith.constant 16 : i32
      %mul3A_295 = arith.muli %scan3A_293, %mul3A_294 : i32
      %get3A_296 = arith.index_cast %mul3A_295 : i32 to index
      %get3A_297 = tpu.vector_load %arg6[%get3A_296] {strides = array<i32>} : memref<10240xf32, #tpu.memory_space<vmem>>, vector<16xf32>,
      %mul3A_298 = arith.constant 16 : i32
      %mul3A_299 = arith.muli %scan3A_293, %mul3A_298 : i32
      %add3A_300 = arith.constant 640 : i32
      %add3A_301 = arith.addi %add3A_300, %mul3A_299 : i32
      %get3A_302 = arith.index_cast %add3A_301 : i32 to index
      %get3A_303 = tpu.vector_load %arg6[%get3A_302] {strides = array<i32>} : memref<10240xf32, #tpu.memory_space<vmem>>, vector<16xf32>,
      %add3A_304 = arith.addf %get3A_297, %get3A_303 : vector<16xf32>
      %mul3A_305 = arith.constant 16 : i32
      %mul3A_306 = arith.muli %scan3A_293, %mul3A_305 : i32
      %add3A_307 = arith.constant 1280 : i32
      %add3A_308 = arith.addi %add3A_307, %mul3A_306 : i32
      %get3A_309 = arith.index_cast %add3A_308 : i32 to index
      %get3A_310 = tpu.vector_load %arg6[%get3A_309] {strides = array<i32>} : memref<10240xf32, #tpu.memory_space<vmem>>, vector<16xf32>,
      %add3A_311 = arith.addf %add3A_304, %get3A_310 : vector<16xf32>
      %mul3A_312 = arith.constant 16 : i32
      %mul3A_313 = arith.muli %scan3A_293, %mul3A_312 : i32
      %add3A_314 = arith.constant 1920 : i32
      %add3A_315 = arith.addi %add3A_314, %mul3A_313 : i32
      %get3A_316 = arith.index_cast %add3A_315 : i32 to index
      %get3A_317 = tpu.vector_load %arg6[%get3A_316] {strides = array<i32>} : memref<10240xf32, #tpu.memory_space<vmem>>, vector<16xf32>,
      %add3A_318 = arith.addf %add3A_311, %get3A_317 : vector<16xf32>
      %mul3A_319 = arith.constant 16 : i32
      %mul3A_320 = arith.muli %scan3A_293, %mul3A_319 : i32
      %add3A_321 = arith.constant 2560 : i32
      %add3A_322 = arith.addi %add3A_321, %mul3A_320 : i32
      %get3A_323 = arith.index_cast %add3A_322 : i32 to index
      %get3A_324 = tpu.vector_load %arg6[%get3A_323] {strides = array<i32>} : memref<10240xf32, #tpu.memory_space<vmem>>, vector<16xf32>,
      %add3A_325 = arith.addf %add3A_318, %get3A_324 : vector<16xf32>
      %mul3A_326 = arith.constant 16 : i32
      %mul3A_327 = arith.muli %scan3A_293, %mul3A_326 : i32
      %add3A_328 = arith.constant 3200 : i32
      %add3A_329 = arith.addi %add3A_328, %mul3A_327 : i32
      %get3A_330 = arith.index_cast %add3A_329 : i32 to index
      %get3A_331 = tpu.vector_load %arg6[%get3A_330] {strides = array<i32>} : memref<10240xf32, #tpu.memory_space<vmem>>, vector<16xf32>,
      %add3A_332 = arith.addf %add3A_325, %get3A_331 : vector<16xf32>
      %mul3A_333 = arith.constant 16 : i32
      %mul3A_334 = arith.muli %scan3A_293, %mul3A_333 : i32
      %add3A_335 = arith.constant 3840 : i32
      %add3A_336 = arith.addi %add3A_335, %mul3A_334 : i32
      %get3A_337 = arith.index_cast %add3A_336 : i32 to index
      %get3A_338 = tpu.vector_load %arg6[%get3A_337] {strides = array<i32>} : memref<10240xf32, #tpu.memory_space<vmem>>, vector<16xf32>,
      %add3A_339 = arith.addf %add3A_332, %get3A_338 : vector<16xf32>
      %mul3A_340 = arith.constant 16 : i32
      %mul3A_341 = arith.muli %scan3A_293, %mul3A_340 : i32
      %add3A_342 = arith.constant 4480 : i32
      %add3A_343 = arith.addi %add3A_342, %mul3A_341 : i32
      %get3A_344 = arith.index_cast %add3A_343 : i32 to index
      %get3A_345 = tpu.vector_load %arg6[%get3A_344] {strides = array<i32>} : memref<10240xf32, #tpu.memory_space<vmem>>, vector<16xf32>,
      %add3A_346 = arith.addf %add3A_339, %get3A_345 : vector<16xf32>
      %mul3A_347 = arith.constant 16 : i32
      %mul3A_348 = arith.muli %scan3A_293, %mul3A_347 : i32
      %add3A_349 = arith.constant 5120 : i32
      %add3A_350 = arith.addi %add3A_349, %mul3A_348 : i32
      %get3A_351 = arith.index_cast %add3A_350 : i32 to index
      %get3A_352 = tpu.vector_load %arg6[%get3A_351] {strides = array<i32>} : memref<10240xf32, #tpu.memory_space<vmem>>, vector<16xf32>,
      %add3A_353 = arith.addf %add3A_346, %get3A_352 : vector<16xf32>
      %mul3A_354 = arith.constant 16 : i32
      %mul3A_355 = arith.muli %scan3A_293, %mul3A_354 : i32
      %add3A_356 = arith.constant 5760 : i32
      %add3A_357 = arith.addi %add3A_356, %mul3A_355 : i32
      %get3A_358 = arith.index_cast %add3A_357 : i32 to index
      %get3A_359 = tpu.vector_load %arg6[%get3A_358] {strides = array<i32>} : memref<10240xf32, #tpu.memory_space<vmem>>, vector<16xf32>,
      %add3A_360 = arith.addf %add3A_353, %get3A_359 : vector<16xf32>
      %mul3A_361 = arith.constant 16 : i32
      %mul3A_362 = arith.muli %scan3A_293, %mul3A_361 : i32
      %add3A_363 = arith.constant 6400 : i32
      %add3A_364 = arith.addi %add3A_363, %mul3A_362 : i32
      %get3A_365 = arith.index_cast %add3A_364 : i32 to index
      %get3A_366 = tpu.vector_load %arg6[%get3A_365] {strides = array<i32>} : memref<10240xf32, #tpu.memory_space<vmem>>, vector<16xf32>,
      %add3A_367 = arith.addf %add3A_360, %get3A_366 : vector<16xf32>
      %mul3A_368 = arith.constant 16 : i32
      %mul3A_369 = arith.muli %scan3A_293, %mul3A_368 : i32
      %add3A_370 = arith.constant 7040 : i32
      %add3A_371 = arith.addi %add3A_370, %mul3A_369 : i32
      %get3A_372 = arith.index_cast %add3A_371 : i32 to index
      %get3A_373 = tpu.vector_load %arg6[%get3A_372] {strides = array<i32>} : memref<10240xf32, #tpu.memory_space<vmem>>, vector<16xf32>,
      %add3A_374 = arith.addf %add3A_367, %get3A_373 : vector<16xf32>
      %mul3A_375 = arith.constant 16 : i32
      %mul3A_376 = arith.muli %scan3A_293, %mul3A_375 : i32
      %add3A_377 = arith.constant 7680 : i32
      %add3A_378 = arith.addi %add3A_377, %mul3A_376 : i32
      %get3A_379 = arith.index_cast %add3A_378 : i32 to index
      %get3A_380 = tpu.vector_load %arg6[%get3A_379] {strides = array<i32>} : memref<10240xf32, #tpu.memory_space<vmem>>, vector<16xf32>,
      %add3A_381 = arith.addf %add3A_374, %get3A_380 : vector<16xf32>
      %mul3A_382 = arith.constant 16 : i32
      %mul3A_383 = arith.muli %scan3A_293, %mul3A_382 : i32
      %add3A_384 = arith.constant 8320 : i32
      %add3A_385 = arith.addi %add3A_384, %mul3A_383 : i32
      %get3A_386 = arith.index_cast %add3A_385 : i32 to index
      %get3A_387 = tpu.vector_load %arg6[%get3A_386] {strides = array<i32>} : memref<10240xf32, #tpu.memory_space<vmem>>, vector<16xf32>,
      %add3A_388 = arith.addf %add3A_381, %get3A_387 : vector<16xf32>
      %mul3A_389 = arith.constant 16 : i32
      %mul3A_390 = arith.muli %scan3A_293, %mul3A_389 : i32
      %add3A_391 = arith.constant 8960 : i32
      %add3A_392 = arith.addi %add3A_391, %mul3A_390 : i32
      %get3A_393 = arith.index_cast %add3A_392 : i32 to index
      %get3A_394 = tpu.vector_load %arg6[%get3A_393] {strides = array<i32>} : memref<10240xf32, #tpu.memory_space<vmem>>, vector<16xf32>,
      %add3A_395 = arith.addf %add3A_388, %get3A_394 : vector<16xf32>
      %mul3A_396 = arith.constant 16 : i32
      %mul3A_397 = arith.muli %scan3A_293, %mul3A_396 : i32
      %add3A_398 = arith.constant 9600 : i32
      %add3A_399 = arith.addi %add3A_398, %mul3A_397 : i32
      %get3A_400 = arith.index_cast %add3A_399 : i32 to index
      %get3A_401 = tpu.vector_load %arg6[%get3A_400] {strides = array<i32>} : memref<10240xf32, #tpu.memory_space<vmem>>, vector<16xf32>,
      %add3A_402 = arith.addf %add3A_395, %get3A_401 : vector<16xf32>
      %mul3A_403 = arith.constant 16 : i32
      %mul3A_404 = arith.muli %scan3A_293, %mul3A_403 : i32
      %swap3A = arith.index_cast %mul3A_404 : i32 to index
      %swap3A_405 = tpu.vector_load %arg7[%swap3A] {strides = array<i32>} : memref<640xf32, #tpu.memory_space<vmem>>, vector<16xf32>,
      tpu.vector_store %arg7[%swap3A], %add3A_402 {strides = array<i32>} : memref<640xf32, #tpu.memory_space<vmem>>, vector<16xf32>,
      %scan3A_406 = arith.constant 1 : i32
      %scan3A_407 = arith.addi %scan3A_293, %scan3A_406 : i32
      %mul3A_408 = arith.constant 16 : i32
      %mul3A_409 = arith.muli %scan3A_407, %mul3A_408 : i32
      %get3A_410 = arith.index_cast %mul3A_409 : i32 to index
      %get3A_411 = tpu.vector_load %arg6[%get3A_410] {strides = array<i32>} : memref<10240xf32, #tpu.memory_space<vmem>>, vector<16xf32>,
      %mul3A_412 = arith.constant 16 : i32
      %mul3A_413 = arith.muli %scan3A_407, %mul3A_412 : i32
      %add3A_414 = arith.constant 640 : i32
      %add3A_415 = arith.addi %add3A_414, %mul3A_413 : i32
      %get3A_416 = arith.index_cast %add3A_415 : i32 to index
      %get3A_417 = tpu.vector_load %arg6[%get3A_416] {strides = array<i32>} : memref<10240xf32, #tpu.memory_space<vmem>>, vector<16xf32>,
      %add3A_418 = arith.addf %get3A_411, %get3A_417 : vector<16xf32>
      %mul3A_419 = arith.constant 16 : i32
      %mul3A_420 = arith.muli %scan3A_407, %mul3A_419 : i32
      %add3A_421 = arith.constant 1280 : i32
      %add3A_422 = arith.addi %add3A_421, %mul3A_420 : i32
      %get3A_423 = arith.index_cast %add3A_422 : i32 to index
      %get3A_424 = tpu.vector_load %arg6[%get3A_423] {strides = array<i32>} : memref<10240xf32, #tpu.memory_space<vmem>>, vector<16xf32>,
      %add3A_425 = arith.addf %add3A_418, %get3A_424 : vector<16xf32>
      %mul3A_426 = arith.constant 16 : i32
      %mul3A_427 = arith.muli %scan3A_407, %mul3A_426 : i32
      %add3A_428 = arith.constant 1920 : i32
      %add3A_429 = arith.addi %add3A_428, %mul3A_427 : i32
      %get3A_430 = arith.index_cast %add3A_429 : i32 to index
      %get3A_431 = tpu.vector_load %arg6[%get3A_430] {strides = array<i32>} : memref<10240xf32, #tpu.memory_space<vmem>>, vector<16xf32>,
      %add3A_432 = arith.addf %add3A_425, %get3A_431 : vector<16xf32>
      %mul3A_433 = arith.constant 16 : i32
      %mul3A_434 = arith.muli %scan3A_407, %mul3A_433 : i32
      %add3A_435 = arith.constant 2560 : i32
      %add3A_436 = arith.addi %add3A_435, %mul3A_434 : i32
      %get3A_437 = arith.index_cast %add3A_436 : i32 to index
      %get3A_438 = tpu.vector_load %arg6[%get3A_437] {strides = array<i32>} : memref<10240xf32, #tpu.memory_space<vmem>>, vector<16xf32>,
      %add3A_439 = arith.addf %add3A_432, %get3A_438 : vector<16xf32>
      %mul3A_440 = arith.constant 16 : i32
      %mul3A_441 = arith.muli %scan3A_407, %mul3A_440 : i32
      %add3A_442 = arith.constant 3200 : i32
      %add3A_443 = arith.addi %add3A_442, %mul3A_441 : i32
      %get3A_444 = arith.index_cast %add3A_443 : i32 to index
      %get3A_445 = tpu.vector_load %arg6[%get3A_444] {strides = array<i32>} : memref<10240xf32, #tpu.memory_space<vmem>>, vector<16xf32>,
      %add3A_446 = arith.addf %add3A_439, %get3A_445 : vector<16xf32>
      %mul3A_447 = arith.constant 16 : i32
      %mul3A_448 = arith.muli %scan3A_407, %mul3A_447 : i32
      %add3A_449 = arith.constant 3840 : i32
      %add3A_450 = arith.addi %add3A_449, %mul3A_448 : i32
      %get3A_451 = arith.index_cast %add3A_450 : i32 to index
      %get3A_452 = tpu.vector_load %arg6[%get3A_451] {strides = array<i32>} : memref<10240xf32, #tpu.memory_space<vmem>>, vector<16xf32>,
      %add3A_453 = arith.addf %add3A_446, %get3A_452 : vector<16xf32>
      %mul3A_454 = arith.constant 16 : i32
      %mul3A_455 = arith.muli %scan3A_407, %mul3A_454 : i32
      %add3A_456 = arith.constant 4480 : i32
      %add3A_457 = arith.addi %add3A_456, %mul3A_455 : i32
      %get3A_458 = arith.index_cast %add3A_457 : i32 to index
      %get3A_459 = tpu.vector_load %arg6[%get3A_458] {strides = array<i32>} : memref<10240xf32, #tpu.memory_space<vmem>>, vector<16xf32>,
      %add3A_460 = arith.addf %add3A_453, %get3A_459 : vector<16xf32>
      %mul3A_461 = arith.constant 16 : i32
      %mul3A_462 = arith.muli %scan3A_407, %mul3A_461 : i32
      %add3A_463 = arith.constant 5120 : i32
      %add3A_464 = arith.addi %add3A_463, %mul3A_462 : i32
      %get3A_465 = arith.index_cast %add3A_464 : i32 to index
      %get3A_466 = tpu.vector_load %arg6[%get3A_465] {strides = array<i32>} : memref<10240xf32, #tpu.memory_space<vmem>>, vector<16xf32>,
      %add3A_467 = arith.addf %add3A_460, %get3A_466 : vector<16xf32>
      %mul3A_468 = arith.constant 16 : i32
      %mul3A_469 = arith.muli %scan3A_407, %mul3A_468 : i32
      %add3A_470 = arith.constant 5760 : i32
      %add3A_471 = arith.addi %add3A_470, %mul3A_469 : i32
      %get3A_472 = arith.index_cast %add3A_471 : i32 to index
      %get3A_473 = tpu.vector_load %arg6[%get3A_472] {strides = array<i32>} : memref<10240xf32, #tpu.memory_space<vmem>>, vector<16xf32>,
      %add3A_474 = arith.addf %add3A_467, %get3A_473 : vector<16xf32>
      %mul3A_475 = arith.constant 16 : i32
      %mul3A_476 = arith.muli %scan3A_407, %mul3A_475 : i32
      %add3A_477 = arith.constant 6400 : i32
      %add3A_478 = arith.addi %add3A_477, %mul3A_476 : i32
      %get3A_479 = arith.index_cast %add3A_478 : i32 to index
      %get3A_480 = tpu.vector_load %arg6[%get3A_479] {strides = array<i32>} : memref<10240xf32, #tpu.memory_space<vmem>>, vector<16xf32>,
      %add3A_481 = arith.addf %add3A_474, %get3A_480 : vector<16xf32>
      %mul3A_482 = arith.constant 16 : i32
      %mul3A_483 = arith.muli %scan3A_407, %mul3A_482 : i32
      %add3A_484 = arith.constant 7040 : i32
      %add3A_485 = arith.addi %add3A_484, %mul3A_483 : i32
      %get3A_486 = arith.index_cast %add3A_485 : i32 to index
      %get3A_487 = tpu.vector_load %arg6[%get3A_486] {strides = array<i32>} : memref<10240xf32, #tpu.memory_space<vmem>>, vector<16xf32>,
      %add3A_488 = arith.addf %add3A_481, %get3A_487 : vector<16xf32>
      %mul3A_489 = arith.constant 16 : i32
      %mul3A_490 = arith.muli %scan3A_407, %mul3A_489 : i32
      %add3A_491 = arith.constant 7680 : i32
      %add3A_492 = arith.addi %add3A_491, %mul3A_490 : i32
      %get3A_493 = arith.index_cast %add3A_492 : i32 to index
      %get3A_494 = tpu.vector_load %arg6[%get3A_493] {strides = array<i32>} : memref<10240xf32, #tpu.memory_space<vmem>>, vector<16xf32>,
      %add3A_495 = arith.addf %add3A_488, %get3A_494 : vector<16xf32>
      %mul3A_496 = arith.constant 16 : i32
      %mul3A_497 = arith.muli %scan3A_407, %mul3A_496 : i32
      %add3A_498 = arith.constant 8320 : i32
      %add3A_499 = arith.addi %add3A_498, %mul3A_497 : i32
      %get3A_500 = arith.index_cast %add3A_499 : i32 to index
      %get3A_501 = tpu.vector_load %arg6[%get3A_500] {strides = array<i32>} : memref<10240xf32, #tpu.memory_space<vmem>>, vector<16xf32>,
      %add3A_502 = arith.addf %add3A_495, %get3A_501 : vector<16xf32>
      %mul3A_503 = arith.constant 16 : i32
      %mul3A_504 = arith.muli %scan3A_407, %mul3A_503 : i32
      %add3A_505 = arith.constant 8960 : i32
      %add3A_506 = arith.addi %add3A_505, %mul3A_504 : i32
      %get3A_507 = arith.index_cast %add3A_506 : i32 to index
      %get3A_508 = tpu.vector_load %arg6[%get3A_507] {strides = array<i32>} : memref<10240xf32, #tpu.memory_space<vmem>>, vector<16xf32>,
      %add3A_509 = arith.addf %add3A_502, %get3A_508 : vector<16xf32>
      %mul3A_510 = arith.constant 16 : i32
      %mul3A_511 = arith.muli %scan3A_407, %mul3A_510 : i32
      %add3A_512 = arith.constant 9600 : i32
      %add3A_513 = arith.addi %add3A_512, %mul3A_511 : i32
      %get3A_514 = arith.index_cast %add3A_513 : i32 to index
      %get3A_515 = tpu.vector_load %arg6[%get3A_514] {strides = array<i32>} : memref<10240xf32, #tpu.memory_space<vmem>>, vector<16xf32>,
      %add3A_516 = arith.addf %add3A_509, %get3A_515 : vector<16xf32>
      %mul3A_517 = arith.constant 16 : i32
      %mul3A_518 = arith.muli %scan3A_407, %mul3A_517 : i32
      %swap3A_519 = arith.index_cast %mul3A_518 : i32 to index
      %swap3A_520 = tpu.vector_load %arg7[%swap3A_519] {strides = array<i32>} : memref<640xf32, #tpu.memory_space<vmem>>, vector<16xf32>,
      tpu.vector_store %arg7[%swap3A_519], %add3A_516 {strides = array<i32>} : memref<640xf32, #tpu.memory_space<vmem>>, vector<16xf32>,
      %scan3A_521 = arith.constant 2 : i32
      %scan3A_522 = arith.addi %scan3A_293, %scan3A_521 : i32
      %mul3A_523 = arith.constant 16 : i32
      %mul3A_524 = arith.muli %scan3A_522, %mul3A_523 : i32
      %get3A_525 = arith.index_cast %mul3A_524 : i32 to index
      %get3A_526 = tpu.vector_load %arg6[%get3A_525] {strides = array<i32>} : memref<10240xf32, #tpu.memory_space<vmem>>, vector<16xf32>,
      %mul3A_527 = arith.constant 16 : i32
      %mul3A_528 = arith.muli %scan3A_522, %mul3A_527 : i32
      %add3A_529 = arith.constant 640 : i32
      %add3A_530 = arith.addi %add3A_529, %mul3A_528 : i32
      %get3A_531 = arith.index_cast %add3A_530 : i32 to index
      %get3A_532 = tpu.vector_load %arg6[%get3A_531] {strides = array<i32>} : memref<10240xf32, #tpu.memory_space<vmem>>, vector<16xf32>,
      %add3A_533 = arith.addf %get3A_526, %get3A_532 : vector<16xf32>
      %mul3A_534 = arith.constant 16 : i32
      %mul3A_535 = arith.muli %scan3A_522, %mul3A_534 : i32
      %add3A_536 = arith.constant 1280 : i32
      %add3A_537 = arith.addi %add3A_536, %mul3A_535 : i32
      %get3A_538 = arith.index_cast %add3A_537 : i32 to index
      %get3A_539 = tpu.vector_load %arg6[%get3A_538] {strides = array<i32>} : memref<10240xf32, #tpu.memory_space<vmem>>, vector<16xf32>,
      %add3A_540 = arith.addf %add3A_533, %get3A_539 : vector<16xf32>
      %mul3A_541 = arith.constant 16 : i32
      %mul3A_542 = arith.muli %scan3A_522, %mul3A_541 : i32
      %add3A_543 = arith.constant 1920 : i32
      %add3A_544 = arith.addi %add3A_543, %mul3A_542 : i32
      %get3A_545 = arith.index_cast %add3A_544 : i32 to index
      %get3A_546 = tpu.vector_load %arg6[%get3A_545] {strides = array<i32>} : memref<10240xf32, #tpu.memory_space<vmem>>, vector<16xf32>,
      %add3A_547 = arith.addf %add3A_540, %get3A_546 : vector<16xf32>
      %mul3A_548 = arith.constant 16 : i32
      %mul3A_549 = arith.muli %scan3A_522, %mul3A_548 : i32
      %add3A_550 = arith.constant 2560 : i32
      %add3A_551 = arith.addi %add3A_550, %mul3A_549 : i32
      %get3A_552 = arith.index_cast %add3A_551 : i32 to index
      %get3A_553 = tpu.vector_load %arg6[%get3A_552] {strides = array<i32>} : memref<10240xf32, #tpu.memory_space<vmem>>, vector<16xf32>,
      %add3A_554 = arith.addf %add3A_547, %get3A_553 : vector<16xf32>
      %mul3A_555 = arith.constant 16 : i32
      %mul3A_556 = arith.muli %scan3A_522, %mul3A_555 : i32
      %add3A_557 = arith.constant 3200 : i32
      %add3A_558 = arith.addi %add3A_557, %mul3A_556 : i32
      %get3A_559 = arith.index_cast %add3A_558 : i32 to index
      %get3A_560 = tpu.vector_load %arg6[%get3A_559] {strides = array<i32>} : memref<10240xf32, #tpu.memory_space<vmem>>, vector<16xf32>,
      %add3A_561 = arith.addf %add3A_554, %get3A_560 : vector<16xf32>
      %mul3A_562 = arith.constant 16 : i32
      %mul3A_563 = arith.muli %scan3A_522, %mul3A_562 : i32
      %add3A_564 = arith.constant 3840 : i32
      %add3A_565 = arith.addi %add3A_564, %mul3A_563 : i32
      %get3A_566 = arith.index_cast %add3A_565 : i32 to index
      %get3A_567 = tpu.vector_load %arg6[%get3A_566] {strides = array<i32>} : memref<10240xf32, #tpu.memory_space<vmem>>, vector<16xf32>,
      %add3A_568 = arith.addf %add3A_561, %get3A_567 : vector<16xf32>
      %mul3A_569 = arith.constant 16 : i32
      %mul3A_570 = arith.muli %scan3A_522, %mul3A_569 : i32
      %add3A_571 = arith.constant 4480 : i32
      %add3A_572 = arith.addi %add3A_571, %mul3A_570 : i32
      %get3A_573 = arith.index_cast %add3A_572 : i32 to index
      %get3A_574 = tpu.vector_load %arg6[%get3A_573] {strides = array<i32>} : memref<10240xf32, #tpu.memory_space<vmem>>, vector<16xf32>,
      %add3A_575 = arith.addf %add3A_568, %get3A_574 : vector<16xf32>
      %mul3A_576 = arith.constant 16 : i32
      %mul3A_577 = arith.muli %scan3A_522, %mul3A_576 : i32
      %add3A_578 = arith.constant 5120 : i32
      %add3A_579 = arith.addi %add3A_578, %mul3A_577 : i32
      %get3A_580 = arith.index_cast %add3A_579 : i32 to index
      %get3A_581 = tpu.vector_load %arg6[%get3A_580] {strides = array<i32>} : memref<10240xf32, #tpu.memory_space<vmem>>, vector<16xf32>,
      %add3A_582 = arith.addf %add3A_575, %get3A_581 : vector<16xf32>
      %mul3A_583 = arith.constant 16 : i32
      %mul3A_584 = arith.muli %scan3A_522, %mul3A_583 : i32
      %add3A_585 = arith.constant 5760 : i32
      %add3A_586 = arith.addi %add3A_585, %mul3A_584 : i32
      %get3A_587 = arith.index_cast %add3A_586 : i32 to index
      %get3A_588 = tpu.vector_load %arg6[%get3A_587] {strides = array<i32>} : memref<10240xf32, #tpu.memory_space<vmem>>, vector<16xf32>,
      %add3A_589 = arith.addf %add3A_582, %get3A_588 : vector<16xf32>
      %mul3A_590 = arith.constant 16 : i32
      %mul3A_591 = arith.muli %scan3A_522, %mul3A_590 : i32
      %add3A_592 = arith.constant 6400 : i32
      %add3A_593 = arith.addi %add3A_592, %mul3A_591 : i32
      %get3A_594 = arith.index_cast %add3A_593 : i32 to index
      %get3A_595 = tpu.vector_load %arg6[%get3A_594] {strides = array<i32>} : memref<10240xf32, #tpu.memory_space<vmem>>, vector<16xf32>,
      %add3A_596 = arith.addf %add3A_589, %get3A_595 : vector<16xf32>
      %mul3A_597 = arith.constant 16 : i32
      %mul3A_598 = arith.muli %scan3A_522, %mul3A_597 : i32
      %add3A_599 = arith.constant 7040 : i32
      %add3A_600 = arith.addi %add3A_599, %mul3A_598 : i32
      %get3A_601 = arith.index_cast %add3A_600 : i32 to index
      %get3A_602 = tpu.vector_load %arg6[%get3A_601] {strides = array<i32>} : memref<10240xf32, #tpu.memory_space<vmem>>, vector<16xf32>,
      %add3A_603 = arith.addf %add3A_596, %get3A_602 : vector<16xf32>
      %mul3A_604 = arith.constant 16 : i32
      %mul3A_605 = arith.muli %scan3A_522, %mul3A_604 : i32
      %add3A_606 = arith.constant 7680 : i32
      %add3A_607 = arith.addi %add3A_606, %mul3A_605 : i32
      %get3A_608 = arith.index_cast %add3A_607 : i32 to index
      %get3A_609 = tpu.vector_load %arg6[%get3A_608] {strides = array<i32>} : memref<10240xf32, #tpu.memory_space<vmem>>, vector<16xf32>,
      %add3A_610 = arith.addf %add3A_603, %get3A_609 : vector<16xf32>
      %mul3A_611 = arith.constant 16 : i32
      %mul3A_612 = arith.muli %scan3A_522, %mul3A_611 : i32
      %add3A_613 = arith.constant 8320 : i32
      %add3A_614 = arith.addi %add3A_613, %mul3A_612 : i32
      %get3A_615 = arith.index_cast %add3A_614 : i32 to index
      %get3A_616 = tpu.vector_load %arg6[%get3A_615] {strides = array<i32>} : memref<10240xf32, #tpu.memory_space<vmem>>, vector<16xf32>,
      %add3A_617 = arith.addf %add3A_610, %get3A_616 : vector<16xf32>
      %mul3A_618 = arith.constant 16 : i32
      %mul3A_619 = arith.muli %scan3A_522, %mul3A_618 : i32
      %add3A_620 = arith.constant 8960 : i32
      %add3A_621 = arith.addi %add3A_620, %mul3A_619 : i32
      %get3A_622 = arith.index_cast %add3A_621 : i32 to index
      %get3A_623 = tpu.vector_load %arg6[%get3A_622] {strides = array<i32>} : memref<10240xf32, #tpu.memory_space<vmem>>, vector<16xf32>,
      %add3A_624 = arith.addf %add3A_617, %get3A_623 : vector<16xf32>
      %mul3A_625 = arith.constant 16 : i32
      %mul3A_626 = arith.muli %scan3A_522, %mul3A_625 : i32
      %add3A_627 = arith.constant 9600 : i32
      %add3A_628 = arith.addi %add3A_627, %mul3A_626 : i32
      %get3A_629 = arith.index_cast %add3A_628 : i32 to index
      %get3A_630 = tpu.vector_load %arg6[%get3A_629] {strides = array<i32>} : memref<10240xf32, #tpu.memory_space<vmem>>, vector<16xf32>,
      %add3A_631 = arith.addf %add3A_624, %get3A_630 : vector<16xf32>
      %mul3A_632 = arith.constant 16 : i32
      %mul3A_633 = arith.muli %scan3A_522, %mul3A_632 : i32
      %swap3A_634 = arith.index_cast %mul3A_633 : i32 to index
      %swap3A_635 = tpu.vector_load %arg7[%swap3A_634] {strides = array<i32>} : memref<640xf32, #tpu.memory_space<vmem>>, vector<16xf32>,
      tpu.vector_store %arg7[%swap3A_634], %add3A_631 {strides = array<i32>} : memref<640xf32, #tpu.memory_space<vmem>>, vector<16xf32>,
      %scan3A_636 = arith.constant 3 : i32
      %scan3A_637 = arith.addi %scan3A_293, %scan3A_636 : i32
      %mul3A_638 = arith.constant 16 : i32
      %mul3A_639 = arith.muli %scan3A_637, %mul3A_638 : i32
      %get3A_640 = arith.index_cast %mul3A_639 : i32 to index
      %get3A_641 = tpu.vector_load %arg6[%get3A_640] {strides = array<i32>} : memref<10240xf32, #tpu.memory_space<vmem>>, vector<16xf32>,
      %mul3A_642 = arith.constant 16 : i32
      %mul3A_643 = arith.muli %scan3A_637, %mul3A_642 : i32
      %add3A_644 = arith.constant 640 : i32
      %add3A_645 = arith.addi %add3A_644, %mul3A_643 : i32
      %get3A_646 = arith.index_cast %add3A_645 : i32 to index
      %get3A_647 = tpu.vector_load %arg6[%get3A_646] {strides = array<i32>} : memref<10240xf32, #tpu.memory_space<vmem>>, vector<16xf32>,
      %add3A_648 = arith.addf %get3A_641, %get3A_647 : vector<16xf32>
      %mul3A_649 = arith.constant 16 : i32
      %mul3A_650 = arith.muli %scan3A_637, %mul3A_649 : i32
      %add3A_651 = arith.constant 1280 : i32
      %add3A_652 = arith.addi %add3A_651, %mul3A_650 : i32
      %get3A_653 = arith.index_cast %add3A_652 : i32 to index
      %get3A_654 = tpu.vector_load %arg6[%get3A_653] {strides = array<i32>} : memref<10240xf32, #tpu.memory_space<vmem>>, vector<16xf32>,
      %add3A_655 = arith.addf %add3A_648, %get3A_654 : vector<16xf32>
      %mul3A_656 = arith.constant 16 : i32
      %mul3A_657 = arith.muli %scan3A_637, %mul3A_656 : i32
      %add3A_658 = arith.constant 1920 : i32
      %add3A_659 = arith.addi %add3A_658, %mul3A_657 : i32
      %get3A_660 = arith.index_cast %add3A_659 : i32 to index
      %get3A_661 = tpu.vector_load %arg6[%get3A_660] {strides = array<i32>} : memref<10240xf32, #tpu.memory_space<vmem>>, vector<16xf32>,
      %add3A_662 = arith.addf %add3A_655, %get3A_661 : vector<16xf32>
      %mul3A_663 = arith.constant 16 : i32
      %mul3A_664 = arith.muli %scan3A_637, %mul3A_663 : i32
      %add3A_665 = arith.constant 2560 : i32
      %add3A_666 = arith.addi %add3A_665, %mul3A_664 : i32
      %get3A_667 = arith.index_cast %add3A_666 : i32 to index
      %get3A_668 = tpu.vector_load %arg6[%get3A_667] {strides = array<i32>} : memref<10240xf32, #tpu.memory_space<vmem>>, vector<16xf32>,
      %add3A_669 = arith.addf %add3A_662, %get3A_668 : vector<16xf32>
      %mul3A_670 = arith.constant 16 : i32
      %mul3A_671 = arith.muli %scan3A_637, %mul3A_670 : i32
      %add3A_672 = arith.constant 3200 : i32
      %add3A_673 = arith.addi %add3A_672, %mul3A_671 : i32
      %get3A_674 = arith.index_cast %add3A_673 : i32 to index
      %get3A_675 = tpu.vector_load %arg6[%get3A_674] {strides = array<i32>} : memref<10240xf32, #tpu.memory_space<vmem>>, vector<16xf32>,
      %add3A_676 = arith.addf %add3A_669, %get3A_675 : vector<16xf32>
      %mul3A_677 = arith.constant 16 : i32
      %mul3A_678 = arith.muli %scan3A_637, %mul3A_677 : i32
      %add3A_679 = arith.constant 3840 : i32
      %add3A_680 = arith.addi %add3A_679, %mul3A_678 : i32
      %get3A_681 = arith.index_cast %add3A_680 : i32 to index
      %get3A_682 = tpu.vector_load %arg6[%get3A_681] {strides = array<i32>} : memref<10240xf32, #tpu.memory_space<vmem>>, vector<16xf32>,
      %add3A_683 = arith.addf %add3A_676, %get3A_682 : vector<16xf32>
      %mul3A_684 = arith.constant 16 : i32
      %mul3A_685 = arith.muli %scan3A_637, %mul3A_684 : i32
      %add3A_686 = arith.constant 4480 : i32
      %add3A_687 = arith.addi %add3A_686, %mul3A_685 : i32
      %get3A_688 = arith.index_cast %add3A_687 : i32 to index
      %get3A_689 = tpu.vector_load %arg6[%get3A_688] {strides = array<i32>} : memref<10240xf32, #tpu.memory_space<vmem>>, vector<16xf32>,
      %add3A_690 = arith.addf %add3A_683, %get3A_689 : vector<16xf32>
      %mul3A_691 = arith.constant 16 : i32
      %mul3A_692 = arith.muli %scan3A_637, %mul3A_691 : i32
      %add3A_693 = arith.constant 5120 : i32
      %add3A_694 = arith.addi %add3A_693, %mul3A_692 : i32
      %get3A_695 = arith.index_cast %add3A_694 : i32 to index
      %get3A_696 = tpu.vector_load %arg6[%get3A_695] {strides = array<i32>} : memref<10240xf32, #tpu.memory_space<vmem>>, vector<16xf32>,
      %add3A_697 = arith.addf %add3A_690, %get3A_696 : vector<16xf32>
      %mul3A_698 = arith.constant 16 : i32
      %mul3A_699 = arith.muli %scan3A_637, %mul3A_698 : i32
      %add3A_700 = arith.constant 5760 : i32
      %add3A_701 = arith.addi %add3A_700, %mul3A_699 : i32
      %get3A_702 = arith.index_cast %add3A_701 : i32 to index
      %get3A_703 = tpu.vector_load %arg6[%get3A_702] {strides = array<i32>} : memref<10240xf32, #tpu.memory_space<vmem>>, vector<16xf32>,
      %add3A_704 = arith.addf %add3A_697, %get3A_703 : vector<16xf32>
      %mul3A_705 = arith.constant 16 : i32
      %mul3A_706 = arith.muli %scan3A_637, %mul3A_705 : i32
      %add3A_707 = arith.constant 6400 : i32
      %add3A_708 = arith.addi %add3A_707, %mul3A_706 : i32
      %get3A_709 = arith.index_cast %add3A_708 : i32 to index
      %get3A_710 = tpu.vector_load %arg6[%get3A_709] {strides = array<i32>} : memref<10240xf32, #tpu.memory_space<vmem>>, vector<16xf32>,
      %add3A_711 = arith.addf %add3A_704, %get3A_710 : vector<16xf32>
      %mul3A_712 = arith.constant 16 : i32
      %mul3A_713 = arith.muli %scan3A_637, %mul3A_712 : i32
      %add3A_714 = arith.constant 7040 : i32
      %add3A_715 = arith.addi %add3A_714, %mul3A_713 : i32
      %get3A_716 = arith.index_cast %add3A_715 : i32 to index
      %get3A_717 = tpu.vector_load %arg6[%get3A_716] {strides = array<i32>} : memref<10240xf32, #tpu.memory_space<vmem>>, vector<16xf32>,
      %add3A_718 = arith.addf %add3A_711, %get3A_717 : vector<16xf32>
      %mul3A_719 = arith.constant 16 : i32
      %mul3A_720 = arith.muli %scan3A_637, %mul3A_719 : i32
      %add3A_721 = arith.constant 7680 : i32
      %add3A_722 = arith.addi %add3A_721, %mul3A_720 : i32
      %get3A_723 = arith.index_cast %add3A_722 : i32 to index
      %get3A_724 = tpu.vector_load %arg6[%get3A_723] {strides = array<i32>} : memref<10240xf32, #tpu.memory_space<vmem>>, vector<16xf32>,
      %add3A_725 = arith.addf %add3A_718, %get3A_724 : vector<16xf32>
      %mul3A_726 = arith.constant 16 : i32
      %mul3A_727 = arith.muli %scan3A_637, %mul3A_726 : i32
      %add3A_728 = arith.constant 8320 : i32
      %add3A_729 = arith.addi %add3A_728, %mul3A_727 : i32
      %get3A_730 = arith.index_cast %add3A_729 : i32 to index
      %get3A_731 = tpu.vector_load %arg6[%get3A_730] {strides = array<i32>} : memref<10240xf32, #tpu.memory_space<vmem>>, vector<16xf32>,
      %add3A_732 = arith.addf %add3A_725, %get3A_731 : vector<16xf32>
      %mul3A_733 = arith.constant 16 : i32
      %mul3A_734 = arith.muli %scan3A_637, %mul3A_733 : i32
      %add3A_735 = arith.constant 8960 : i32
      %add3A_736 = arith.addi %add3A_735, %mul3A_734 : i32
      %get3A_737 = arith.index_cast %add3A_736 : i32 to index
      %get3A_738 = tpu.vector_load %arg6[%get3A_737] {strides = array<i32>} : memref<10240xf32, #tpu.memory_space<vmem>>, vector<16xf32>,
      %add3A_739 = arith.addf %add3A_732, %get3A_738 : vector<16xf32>
      %mul3A_740 = arith.constant 16 : i32
      %mul3A_741 = arith.muli %scan3A_637, %mul3A_740 : i32
      %add3A_742 = arith.constant 9600 : i32
      %add3A_743 = arith.addi %add3A_742, %mul3A_741 : i32
      %get3A_744 = arith.index_cast %add3A_743 : i32 to index
      %get3A_745 = tpu.vector_load %arg6[%get3A_744] {strides = array<i32>} : memref<10240xf32, #tpu.memory_space<vmem>>, vector<16xf32>,
      %add3A_746 = arith.addf %add3A_739, %get3A_745 : vector<16xf32>
      %mul3A_747 = arith.constant 16 : i32
      %mul3A_748 = arith.muli %scan3A_637, %mul3A_747 : i32
      %swap3A_749 = arith.index_cast %mul3A_748 : i32 to index
      %swap3A_750 = tpu.vector_load %arg7[%swap3A_749] {strides = array<i32>} : memref<640xf32, #tpu.memory_space<vmem>>, vector<16xf32>,
      tpu.vector_store %arg7[%swap3A_749], %add3A_746 {strides = array<i32>} : memref<640xf32, #tpu.memory_space<vmem>>, vector<16xf32>,
    }
    %scan3A_287 = arith.constant 40 : i32
    %mul3A_288 = arith.constant 10240 : i32
    %mul3A_289 = arith.muli %arg0, %mul3A_288 : i32
    %mul3A_290 = arith.constant 640 : i32
    %mul3A_291 = arith.muli %arg1, %mul3A_290 : i32
    %add3A_292 = arith.addi %mul3A_289, %mul3A_291 : i32
    "tpu.region"() ({
      %run_scoped3A = tpu.sem_alloc : memref<!tpu.dma_semaphore, #tpu.memory_space<semaphore_mem>>
      %dma_start3A_293 = tpu.memref_slice %arg3[%add3A_292] : memref<20480xf32, #tpu.memory_space<hbm>> -> memref<640xf32, #tpu.memory_space<hbm>>
      %dma_start3A_294 = tpu.memref_slice %arg3[%add3A_292] : memref<20480xf32, #tpu.memory_space<hbm>> -> memref<640xf32, #tpu.memory_space<hbm>>
      tpu.enqueue_dma source(%arg7 : memref<640xf32, #tpu.memory_space<vmem>>) target(%dma_start3A_294 : memref<640xf32, #tpu.memory_space<hbm>>) target_semaphore(%run_scoped3A : memref<!tpu.dma_semaphore, #tpu.memory_space<semaphore_mem>>)
      %dma_wait3A_295 = tpu.memref_slice %arg3[%add3A_292] : memref<20480xf32, #tpu.memory_space<hbm>> -> memref<640xf32, #tpu.memory_space<hbm>>
      %dma_wait3A_296 = tpu.memref_slice %arg3[%add3A_292] : memref<20480xf32, #tpu.memory_space<hbm>> -> memref<640xf32, #tpu.memory_space<hbm>>
      tpu.wait_dma2 semaphore(%run_scoped3A : memref<!tpu.dma_semaphore, #tpu.memory_space<semaphore_mem>>) src(%arg7 : memref<640xf32, #tpu.memory_space<vmem>>) dst(%dma_wait3A_296 : memref<640xf32, #tpu.memory_space<hbm>>)
      tpu.yield
    }) : () -> ()
    return
  }
}

module attributes {stable_mosaic.version = 14 : i64} {
  func.func @_extract_body(%arg0: memref<2x320000xi32, #tpu.memory_space<vmem>>, %arg1: memref<10000xi32, #tpu.memory_space<vmem>>, %arg2: memref<320000xi32, #tpu.memory_space<vmem>>, %arg3: memref<10240xi32, #tpu.memory_space<vmem>>) attributes {dimension_semantics = [], scalar_prefetch = 0 : i64, scratch_operands = 0 : i64, tpu.core_type = #tpu.core_type<tc>} {
    %get3A = arith.constant 0 : index
    %get3A_0 = arith.constant 0 : index
    %get3A_1 = vector.load %arg0[%get3A, %get3A_0] : memref<2x320000xi32, #tpu.memory_space<vmem>>, vector<1x320000xi32>
    %get3A_2 = vector.shape_cast %get3A_1 : vector<1x320000xi32> to vector<320000xi32>
    %swap3A = arith.constant 0 : index
    %swap3A_3 = vector.load %arg2[%swap3A] : memref<320000xi32, #tpu.memory_space<vmem>>, vector<320000xi32>
    tpu.vector_store %arg2[%swap3A], %get3A_2 {strides = array<i32>} : memref<320000xi32, #tpu.memory_space<vmem>>, vector<320000xi32>,
    %get3A_4 = arith.constant 0 : index
    %get3A_5 = vector.load %arg1[%get3A_4] : memref<10000xi32, #tpu.memory_space<vmem>>, vector<10000xi32>
    %swap3A_6 = arith.constant 0 : index
    %swap3A_7 = vector.load %arg3[%swap3A_6] : memref<10240xi32, #tpu.memory_space<vmem>>, vector<10000xi32>
    tpu.vector_store %arg3[%swap3A_6], %get3A_5 {strides = array<i32>} : memref<10240xi32, #tpu.memory_space<vmem>>, vector<10000xi32>,
    %broadcast_in_dim3A = arith.constant 64 : i32
    %broadcast_in_dim3A_8 = vector.broadcast %broadcast_in_dim3A : i32 to vector<240xi32>
    %swap3A_9 = arith.constant 10000 : index
    %swap3A_10 = vector.load %arg3[%swap3A_9] : memref<10240xi32, #tpu.memory_space<vmem>>, vector<240xi32>
    tpu.vector_store %arg3[%swap3A_9], %broadcast_in_dim3A_8 {strides = array<i32>} : memref<10240xi32, #tpu.memory_space<vmem>>, vector<240xi32>,
    return
  }
}

module attributes {stable_mosaic.version = 14 : i64} {
  func.func @_pool_body(%arg0: i32, %arg1: memref<1x1x2000xi32, #tpu.memory_space<vmem>>, %arg2: memref<2000x128xf32, #tpu.memory_space<vmem>>, %arg3: memref<64x128xf32, #tpu.memory_space<vmem>>) attributes {dimension_semantics = [#tpu.dimension_semantics<arbitrary>], iteration_bounds = array<i64: 5>, scalar_prefetch = 0 : i64, scratch_operands = 0 : i64, tpu.core_type = #tpu.core_type<tc>, window_params = [{transform_indices = @transform_0, window_bounds = array<i64: 1, 1, 2000>}, {transform_indices = @transform_1, window_bounds = array<i64: 2000, 128>}, {pipeline_mode = #tpu.pipeline_mode<synchronous>, transform_indices = @transform_2, window_bounds = array<i64: 64, 128>}]} {
    %iota3A = tpu.iota {dimensions = array<i32: 0>} : vector<64x2000xi32>
    %get3A = arith.constant 0 : index
    %get3A_0 = arith.constant 0 : index
    %get3A_1 = arith.constant 0 : index
    %get3A_2 = vector.load %arg1[%get3A, %get3A_0, %get3A_1] : memref<1x1x2000xi32, #tpu.memory_space<vmem>>, vector<1x1x2000xi32>
    %get3A_3 = vector.shape_cast %get3A_2 : vector<1x1x2000xi32> to vector<1x2000xi32>
    %eq3A = vector.broadcast %get3A_3 : vector<1x2000xi32> to vector<64x2000xi32>
    %eq3A_4 = arith.cmpi eq, %eq3A, %iota3A : vector<64x2000xi32>
    %convert_element_type3A = arith.extui %eq3A_4 : vector<64x2000xi1> to vector<64x2000xi32>
    %convert_element_type3A_5 = arith.sitofp %convert_element_type3A : vector<64x2000xi32> to vector<64x2000xf32>
    %get3A_6 = arith.constant 0 : index
    %get3A_7 = arith.constant 0 : index
    %get3A_8 = vector.load %arg2[%get3A_6, %get3A_7] : memref<2000x128xf32, #tpu.memory_space<vmem>>, vector<2000x128xf32>
    %dot_general3A = arith.constant dense<0.000000e+00> : vector<64x128xf32>
    %dot_general3A_9 = tpu.matmul %convert_element_type3A_5, %get3A_8, %dot_general3A {dimension_numbers = #tpu.dot_dimension_numbers<[1], [0], [0], [1], [0, 0, 1, 1], [], []>, transpose_lhs_hint = false} : vector<64x2000xf32>, vector<2000x128xf32>, vector<64x128xf32> -> vector<64x128xf32>
    %eq3A_10 = arith.constant 0 : i32
    %eq3A_11 = arith.cmpi eq, %arg0, %eq3A_10 : i32
    %convert_element_type3A_12 = arith.extui %eq3A_11 : i1 to i32
    %cond3A = arith.constant 0 : i32
    %cond3A_13 = arith.cmpi ne, %convert_element_type3A_12, %cond3A : i32
    scf.if %cond3A_13 {
      %swap3A = arith.constant 0 : index
      %swap3A_18 = arith.constant 0 : index
      %swap3A_19 = vector.load %arg3[%swap3A, %swap3A_18] : memref<64x128xf32, #tpu.memory_space<vmem>>, vector<64x128xf32>
      tpu.vector_store %arg3[%swap3A, %swap3A_18], %dot_general3A_9 {strides = array<i32>} : memref<64x128xf32, #tpu.memory_space<vmem>>, vector<64x128xf32>,
    } else {
    }
    %ne3A = arith.constant 0 : i32
    %ne3A_14 = arith.cmpi ne, %arg0, %ne3A : i32
    %convert_element_type3A_15 = arith.extui %ne3A_14 : i1 to i32
    %cond3A_16 = arith.constant 0 : i32
    %cond3A_17 = arith.cmpi ne, %convert_element_type3A_15, %cond3A_16 : i32
    scf.if %cond3A_17 {
      %get3A_18 = arith.constant 0 : index
      %get3A_19 = arith.constant 0 : index
      %get3A_20 = vector.load %arg3[%get3A_18, %get3A_19] : memref<64x128xf32, #tpu.memory_space<vmem>>, vector<64x128xf32>
      %add3A = arith.addf %get3A_20, %dot_general3A_9 : vector<64x128xf32>
      %swap3A = arith.constant 0 : index
      %swap3A_21 = arith.constant 0 : index
      %swap3A_22 = vector.load %arg3[%swap3A, %swap3A_21] : memref<64x128xf32, #tpu.memory_space<vmem>>, vector<64x128xf32>
      tpu.vector_store %arg3[%swap3A, %swap3A_21], %add3A {strides = array<i32>} : memref<64x128xf32, #tpu.memory_space<vmem>>, vector<64x128xf32>,
    } else {
    }
    return
  }
  func.func @transform_0(%arg0: i32) -> (i32, i32, i32) {
    %c0_i32 = arith.constant 0 : i32
    %c0_i32_0 = arith.constant 0 : i32
    %c0_i32_1 = arith.constant 0 : i32
    return %arg0, %c0_i32, %c0_i32_0 : i32, i32, i32
  }
  func.func @transform_1(%arg0: i32) -> (i32, i32) {
    %c0_i32 = arith.constant 0 : i32
    %c0_i32_0 = arith.constant 0 : i32
    return %arg0, %c0_i32 : i32, i32
  }
  func.func @transform_2(%arg0: i32) -> (i32, i32) {
    %c0_i32 = arith.constant 0 : i32
    %c0_i32_0 = arith.constant 0 : i32
    %c0_i32_1 = arith.constant 0 : i32
    return %c0_i32, %c0_i32_0 : i32, i32
  }
}

module attributes {stable_mosaic.version = 14 : i64} {
  func.func @_head_body(%arg0: i32, %arg1: memref<10240xf32, #tpu.memory_space<vmem>>, %arg2: memref<10240xf32, #tpu.memory_space<vmem>>, %arg3: memref<10240xi32, #tpu.memory_space<vmem>>, %arg4: memref<64x128xf32, #tpu.memory_space<vmem>>, %arg5: memref<64x5xf32, #tpu.memory_space<vmem>>, %arg6: memref<64xf32, #tpu.memory_space<vmem>>, %arg7: memref<64x128xf32, #tpu.memory_space<vmem>>, %arg8: memref<64xf32, #tpu.memory_space<vmem>>, %arg9: memref<64x64xf32, #tpu.memory_space<vmem>>, %arg10: memref<64xf32, #tpu.memory_space<vmem>>, %arg11: memref<12x64xf32, #tpu.memory_space<vmem>>, %arg12: memref<12xf32, #tpu.memory_space<vmem>>, %arg13: memref<12x64xf32, #tpu.memory_space<vmem>>, %arg14: memref<12xf32, #tpu.memory_space<vmem>>, %arg15: memref<64x64xf32, #tpu.memory_space<vmem>>, %arg16: memref<64xf32, #tpu.memory_space<vmem>>, %arg17: memref<144x64xf32, #tpu.memory_space<vmem>>, %arg18: memref<144xf32, #tpu.memory_space<vmem>>, %arg19: memref<64x12xf32, #tpu.memory_space<vmem>>, %arg20: memref<64x12xf32, #tpu.memory_space<vmem>>, %arg21: memref<64x12x12xf32, #tpu.memory_space<vmem>>) attributes {dimension_semantics = [#tpu.dimension_semantics<arbitrary>], iteration_bounds = array<i64: 1>, scalar_prefetch = 0 : i64, scratch_operands = 0 : i64, tpu.core_type = #tpu.core_type<tc>, window_params = [{transform_indices = @transform_0, window_bounds = array<i64: 10240>}, {transform_indices = @transform_1, window_bounds = array<i64: 10240>}, {pipeline_mode = #tpu.pipeline_mode<synchronous>, transform_indices = @transform_2, window_bounds = array<i64: 10240>}, {pipeline_mode = #tpu.pipeline_mode<synchronous>, transform_indices = @transform_3, window_bounds = array<i64: 64, 128>}, {pipeline_mode = #tpu.pipeline_mode<synchronous>, transform_indices = @transform_4, window_bounds = array<i64: 64, 5>}, {pipeline_mode = #tpu.pipeline_mode<synchronous>, transform_indices = @transform_5, window_bounds = array<i64: 64>}, {pipeline_mode = #tpu.pipeline_mode<synchronous>, transform_indices = @transform_6, window_bounds = array<i64: 64, 128>}, {pipeline_mode = #tpu.pipeline_mode<synchronous>, transform_indices = @transform_7, window_bounds = array<i64: 64>}, {pipeline_mode = #tpu.pipeline_mode<synchronous>, transform_indices = @transform_8, window_bounds = array<i64: 64, 64>}, {pipeline_mode = #tpu.pipeline_mode<synchronous>, transform_indices = @transform_9, window_bounds = array<i64: 64>}, {pipeline_mode = #tpu.pipeline_mode<synchronous>, transform_indices = @transform_10, window_bounds = array<i64: 12, 64>}, {pipeline_mode = #tpu.pipeline_mode<synchronous>, transform_indices = @transform_11, window_bounds = array<i64: 12>}, {pipeline_mode = #tpu.pipeline_mode<synchronous>, transform_indices = @transform_12, window_bounds = array<i64: 12, 64>}, {pipeline_mode = #tpu.pipeline_mode<synchronous>, transform_indices = @transform_13, window_bounds = array<i64: 12>}, {pipeline_mode = #tpu.pipeline_mode<synchronous>, transform_indices = @transform_14, window_bounds = array<i64: 64, 64>}, {pipeline_mode = #tpu.pipeline_mode<synchronous>, transform_indices = @transform_15, window_bounds = array<i64: 64>}, {pipeline_mode = #tpu.pipeline_mode<synchronous>, transform_indices = @transform_16, window_bounds = array<i64: 144, 64>}, {pipeline_mode = #tpu.pipeline_mode<synchronous>, transform_indices = @transform_17, window_bounds = array<i64: 144>}, {pipeline_mode = #tpu.pipeline_mode<synchronous>, transform_indices = @transform_18, window_bounds = array<i64: 64, 12>}, {pipeline_mode = #tpu.pipeline_mode<synchronous>, transform_indices = @transform_19, window_bounds = array<i64: 64, 12>}, {pipeline_mode = #tpu.pipeline_mode<synchronous>, transform_indices = @transform_20, window_bounds = array<i64: 64, 12, 12>}]} {
    %get3A = arith.constant 0 : index
    %get3A_0 = vector.load %arg1[%get3A] : memref<10240xf32, #tpu.memory_space<vmem>>, vector<10240xf32>
    %get3A_1 = arith.constant 0 : index
    %get3A_2 = vector.load %arg2[%get3A_1] : memref<10240xf32, #tpu.memory_space<vmem>>, vector<10240xf32>
    %add3A = arith.addf %get3A_0, %get3A_2 : vector<10240xf32>
    %reshape3A = vector.shape_cast %add3A : vector<10240xf32> to vector<1x10240xf32>
    %iota3A = tpu.iota {dimensions = array<i32: 0>} : vector<64x10240xi32>
    %get3A_3 = arith.constant 0 : index
    %get3A_4 = vector.load %arg3[%get3A_3] : memref<10240xi32, #tpu.memory_space<vmem>>, vector<10240xi32>
    %reshape3A_5 = vector.shape_cast %get3A_4 : vector<10240xi32> to vector<1x10240xi32>
    %eq3A = vector.broadcast %reshape3A_5 : vector<1x10240xi32> to vector<64x10240xi32>
    %eq3A_6 = arith.cmpi eq, %eq3A, %iota3A : vector<64x10240xi32>
    %convert_element_type3A = arith.extui %eq3A_6 : vector<64x10240xi1> to vector<64x10240xi32>
    %convert_element_type3A_7 = arith.sitofp %convert_element_type3A : vector<64x10240xi32> to vector<64x10240xf32>
    %mul3A = arith.mulf %reshape3A, %reshape3A : vector<1x10240xf32>
    %mul3A_8 = arith.constant 3.906250e-03 : f32
    %mul3A_9 = vector.broadcast %mul3A_8 : f32 to vector<1x10240xf32>
    %mul3A_10 = arith.mulf %mul3A, %mul3A_9 : vector<1x10240xf32>
    %floor3A = math.floor %mul3A_10 : vector<1x10240xf32>
    %mul3A_11 = arith.constant 2.560000e+02 : f32
    %mul3A_12 = vector.broadcast %mul3A_11 : f32 to vector<1x10240xf32>
    %mul3A_13 = arith.mulf %mul3A_12, %floor3A : vector<1x10240xf32>
    %sub3A = arith.subf %mul3A, %mul3A_13 : vector<1x10240xf32>
    %broadcast_in_dim3A = arith.constant 1.000000e+00 : f32
    %broadcast_in_dim3A_14 = vector.broadcast %broadcast_in_dim3A : f32 to vector<1x10240xf32>
    %broadcast_in_dim3A_15 = arith.constant 0.000000e+00 : f32
    %broadcast_in_dim3A_16 = vector.broadcast %broadcast_in_dim3A_15 : f32 to vector<4x10240xf32>
    %concatenate3A = tpu.concatenate %broadcast_in_dim3A_14, %reshape3A, %floor3A, %sub3A, %broadcast_in_dim3A_16 in 0 : vector<1x10240xf32>, vector<1x10240xf32>, vector<1x10240xf32>, vector<1x10240xf32>, vector<4x10240xf32> -> vector<8x10240xf32>
    %dot_general3A = arith.constant dense<0.000000e+00> : vector<64x8xf32>
    %dot_general3A_17 = tpu.matmul %convert_element_type3A_7, %concatenate3A, %dot_general3A {dimension_numbers = #tpu.dot_dimension_numbers<[1], [1], [0], [0], [0, 0, 1, 0], [], []>, transpose_lhs_hint = false} : vector<64x10240xf32>, vector<8x10240xf32>, vector<64x8xf32> -> vector<64x8xf32>
    %slice3A = vector.extract_strided_slice %dot_general3A_17 {offsets = [0, 0], sizes = [64, 1], strides = [1, 1]} : vector<64x8xf32> to vector<64x1xf32>
    %slice3A_18 = vector.extract_strided_slice %dot_general3A_17 {offsets = [0, 1], sizes = [64, 1], strides = [1, 1]} : vector<64x8xf32> to vector<64x1xf32>
    %slice3A_19 = vector.extract_strided_slice %dot_general3A_17 {offsets = [0, 2], sizes = [64, 1], strides = [1, 1]} : vector<64x8xf32> to vector<64x1xf32>
    %mul3A_20 = arith.constant 2.560000e+02 : f32
    %mul3A_21 = vector.broadcast %mul3A_20 : f32 to vector<64x1xf32>
    %mul3A_22 = arith.mulf %mul3A_21, %slice3A_19 : vector<64x1xf32>
    %slice3A_23 = vector.extract_strided_slice %dot_general3A_17 {offsets = [0, 3], sizes = [64, 1], strides = [1, 1]} : vector<64x8xf32> to vector<64x1xf32>
    %add3A_24 = arith.addf %mul3A_22, %slice3A_23 : vector<64x1xf32>
    %max3A = arith.constant 1.000000e+00 : f32
    %max3A_25 = vector.broadcast %max3A : f32 to vector<64x1xf32>
    %max3A_26 = arith.maximumf %slice3A, %max3A_25 : vector<64x1xf32>
    %mul3A_27 = arith.constant 5.000000e-01 : f32
    %mul3A_28 = vector.broadcast %mul3A_27 : f32 to vector<64x1xf32>
    %mul3A_29 = arith.mulf %mul3A_28, %slice3A_18 : vector<64x1xf32>
    %add3A_30 = arith.constant 1.000000e+00 : f32
    %add3A_31 = vector.broadcast %add3A_30 : f32 to vector<64x1xf32>
    %add3A_32 = arith.addf %slice3A, %add3A_31 : vector<64x1xf32>
    %log3A = math.log %add3A_32 : vector<64x1xf32>
    %add3A_33 = arith.constant 1.000000e+00 : f32
    %add3A_34 = vector.broadcast %add3A_33 : f32 to vector<64x1xf32>
    %add3A_35 = arith.addf %mul3A_29, %add3A_34 : vector<64x1xf32>
    %log3A_36 = math.log %add3A_35 : vector<64x1xf32>
    %mul3A_37 = arith.constant 2.000000e+00 : f32
    %mul3A_38 = vector.broadcast %mul3A_37 : f32 to vector<64x1xf32>
    %mul3A_39 = arith.mulf %mul3A_38, %mul3A_29 : vector<64x1xf32>
    %sub3A_40 = arith.constant 1.000000e+00 : f32
    %sub3A_41 = vector.broadcast %sub3A_40 : f32 to vector<64x1xf32>
    %sub3A_42 = arith.subf %slice3A, %sub3A_41 : vector<64x1xf32>
    %mul3A_43 = arith.mulf %slice3A, %sub3A_42 : vector<64x1xf32>
    %add3A_44 = arith.constant 9.99999993E-9 : f32
    %add3A_45 = vector.broadcast %add3A_44 : f32 to vector<64x1xf32>
    %add3A_46 = arith.addf %mul3A_43, %add3A_45 : vector<64x1xf32>
    %div3A = arith.divf %mul3A_39, %add3A_46 : vector<64x1xf32>
    %div3A_47 = arith.divf %slice3A_18, %max3A_26 : vector<64x1xf32>
    %div3A_48 = arith.divf %add3A_24, %max3A_26 : vector<64x1xf32>
    %mul3A_49 = arith.mulf %div3A_47, %div3A_47 : vector<64x1xf32>
    %sub3A_50 = arith.subf %div3A_48, %mul3A_49 : vector<64x1xf32>
    %max3A_51 = arith.constant 0.000000e+00 : f32
    %max3A_52 = vector.broadcast %max3A_51 : f32 to vector<64x1xf32>
    %max3A_53 = arith.maximumf %sub3A_50, %max3A_52 : vector<64x1xf32>
    %concatenate3A_54 = tpu.concatenate %log3A, %log3A_36, %div3A, %div3A_47, %max3A_53 in 1 : vector<64x1xf32>, vector<64x1xf32>, vector<64x1xf32>, vector<64x1xf32>, vector<64x1xf32> -> vector<64x5xf32>
    %get3A_55 = arith.constant 0 : index
    %get3A_56 = arith.constant 0 : index
    %get3A_57 = vector.load %arg5[%get3A_55, %get3A_56] : memref<64x5xf32, #tpu.memory_space<vmem>>, vector<64x5xf32>
    %dot_general3A_58 = arith.constant dense<0.000000e+00> : vector<64x64xf32>
    %dot_general3A_59 = tpu.matmul %concatenate3A_54, %get3A_57, %dot_general3A_58 {dimension_numbers = #tpu.dot_dimension_numbers<[1], [1], [0], [0], [0, 0, 1, 0], [], []>, transpose_lhs_hint = false} : vector<64x5xf32>, vector<64x5xf32>, vector<64x64xf32> -> vector<64x64xf32>
    %get3A_60 = arith.constant 0 : index
    %get3A_61 = vector.load %arg6[%get3A_60] : memref<64xf32, #tpu.memory_space<vmem>>, vector<64xf32>
    %reshape3A_62 = vector.shape_cast %get3A_61 : vector<64xf32> to vector<1x64xf32>
    %add3A_63 = vector.broadcast %reshape3A_62 : vector<1x64xf32> to vector<64x64xf32>
    %add3A_64 = arith.addf %dot_general3A_59, %add3A_63 : vector<64x64xf32>
    %max3A_65 = arith.constant 0.000000e+00 : f32
    %max3A_66 = vector.broadcast %max3A_65 : f32 to vector<64x64xf32>
    %max3A_67 = arith.maximumf %add3A_64, %max3A_66 : vector<64x64xf32>
    %get3A_68 = arith.constant 0 : index
    %get3A_69 = arith.constant 0 : index
    %get3A_70 = vector.load %arg4[%get3A_68, %get3A_69] : memref<64x128xf32, #tpu.memory_space<vmem>>, vector<64x128xf32>
    %div3A_71 = vector.broadcast %max3A_26 : vector<64x1xf32> to vector<64x128xf32>
    %div3A_72 = arith.divf %get3A_70, %div3A_71 : vector<64x128xf32>
    %get3A_73 = arith.constant 0 : index
    %get3A_74 = arith.constant 0 : index
    %get3A_75 = vector.load %arg7[%get3A_73, %get3A_74] : memref<64x128xf32, #tpu.memory_space<vmem>>, vector<64x128xf32>
    %dot_general3A_76 = arith.constant dense<0.000000e+00> : vector<64x64xf32>
    %dot_general3A_77 = tpu.matmul %div3A_72, %get3A_75, %dot_general3A_76 {dimension_numbers = #tpu.dot_dimension_numbers<[1], [1], [0], [0], [0, 0, 1, 0], [], []>, transpose_lhs_hint = false} : vector<64x128xf32>, vector<64x128xf32>, vector<64x64xf32> -> vector<64x64xf32>
    %get3A_78 = arith.constant 0 : index
    %get3A_79 = vector.load %arg8[%get3A_78] : memref<64xf32, #tpu.memory_space<vmem>>, vector<64xf32>
    %reshape3A_80 = vector.shape_cast %get3A_79 : vector<64xf32> to vector<1x64xf32>
    %add3A_81 = vector.broadcast %reshape3A_80 : vector<1x64xf32> to vector<64x64xf32>
    %add3A_82 = arith.addf %dot_general3A_77, %add3A_81 : vector<64x64xf32>
    %max3A_83 = arith.constant 0.000000e+00 : f32
    %max3A_84 = vector.broadcast %max3A_83 : f32 to vector<64x64xf32>
    %max3A_85 = arith.maximumf %add3A_82, %max3A_84 : vector<64x64xf32>
    %add3A_86 = arith.addf %max3A_67, %max3A_85 : vector<64x64xf32>
    %get3A_87 = arith.constant 0 : index
    %get3A_88 = arith.constant 0 : index
    %get3A_89 = vector.load %arg9[%get3A_87, %get3A_88] : memref<64x64xf32, #tpu.memory_space<vmem>>, vector<64x64xf32>
    %dot_general3A_90 = arith.constant dense<0.000000e+00> : vector<64x64xf32>
    %dot_general3A_91 = tpu.matmul %add3A_86, %get3A_89, %dot_general3A_90 {dimension_numbers = #tpu.dot_dimension_numbers<[1], [1], [0], [0], [0, 0, 1, 0], [], []>, transpose_lhs_hint = false} : vector<64x64xf32>, vector<64x64xf32>, vector<64x64xf32> -> vector<64x64xf32>
    %get3A_92 = arith.constant 0 : index
    %get3A_93 = vector.load %arg10[%get3A_92] : memref<64xf32, #tpu.memory_space<vmem>>, vector<64xf32>
    %reshape3A_94 = vector.shape_cast %get3A_93 : vector<64xf32> to vector<1x64xf32>
    %add3A_95 = vector.broadcast %reshape3A_94 : vector<1x64xf32> to vector<64x64xf32>
    %add3A_96 = arith.addf %dot_general3A_91, %add3A_95 : vector<64x64xf32>
    %max3A_97 = arith.constant 0.000000e+00 : f32
    %max3A_98 = vector.broadcast %max3A_97 : f32 to vector<64x64xf32>
    %max3A_99 = arith.maximumf %add3A_96, %max3A_98 : vector<64x64xf32>
    %get3A_100 = arith.constant 0 : index
    %get3A_101 = arith.constant 0 : index
    %get3A_102 = vector.load %arg11[%get3A_100, %get3A_101] : memref<12x64xf32, #tpu.memory_space<vmem>>, vector<12x64xf32>
    %dot_general3A_103 = arith.constant dense<0.000000e+00> : vector<64x12xf32>
    %dot_general3A_104 = tpu.matmul %max3A_99, %get3A_102, %dot_general3A_103 {dimension_numbers = #tpu.dot_dimension_numbers<[1], [1], [0], [0], [0, 0, 1, 0], [], []>, transpose_lhs_hint = false} : vector<64x64xf32>, vector<12x64xf32>, vector<64x12xf32> -> vector<64x12xf32>
    %get3A_105 = arith.constant 0 : index
    %get3A_106 = vector.load %arg12[%get3A_105] : memref<12xf32, #tpu.memory_space<vmem>>, vector<12xf32>
    %reshape3A_107 = vector.shape_cast %get3A_106 : vector<12xf32> to vector<1x12xf32>
    %add3A_108 = vector.broadcast %reshape3A_107 : vector<1x12xf32> to vector<64x12xf32>
    %add3A_109 = arith.addf %dot_general3A_104, %add3A_108 : vector<64x12xf32>
    %logistic3A = arith.negf %add3A_109 : vector<64x12xf32>
    %logistic3A_110 = math.exp %logistic3A : vector<64x12xf32>
    %logistic3A_111 = arith.constant 1.000000e+00 : f32
    %logistic3A_112 = vector.broadcast %logistic3A_111 : f32 to vector<64x12xf32>
    %logistic3A_113 = arith.addf %logistic3A_112, %logistic3A_110 : vector<64x12xf32>
    %logistic3A_114 = arith.divf %logistic3A_112, %logistic3A_113 : vector<64x12xf32>
    %mul3A_115 = arith.constant 8.000000e-01 : f32
    %mul3A_116 = vector.broadcast %mul3A_115 : f32 to vector<64x12xf32>
    %mul3A_117 = arith.mulf %mul3A_116, %logistic3A_114 : vector<64x12xf32>
    %add3A_118 = arith.constant 2.000000e-01 : f32
    %add3A_119 = vector.broadcast %add3A_118 : f32 to vector<64x12xf32>
    %add3A_120 = arith.addf %add3A_119, %mul3A_117 : vector<64x12xf32>
    %reduce_sum3A = vector.shape_cast %log3A : vector<64x1xf32> to vector<1x64x1xf32>
    %reduce_sum3A_121 = arith.constant dense<0.000000e+00> : vector<1xf32>
    %reduce_sum3A_122 = vector.multi_reduction <add>, %reduce_sum3A, %reduce_sum3A_121 [1, 2] : vector<1x64x1xf32> to vector<1xf32>
    %reduce_sum3A_123 = vector.shape_cast %reduce_sum3A_122 : vector<1xf32> to vector<1x1x1xf32>
    %reduce_sum3A_124 = vector.extract %reduce_sum3A_123[0, 0, 0] : f32 from vector<1x1x1xf32>
    %div3A_125 = arith.constant 6.400000e+01 : f32
    %div3A_126 = arith.divf %reduce_sum3A_124, %div3A_125 : f32
    %sub3A_127 = vector.broadcast %div3A_126 : f32 to vector<64x1xf32>
    %sub3A_128 = arith.subf %log3A, %sub3A_127 : vector<64x1xf32>
    %integer_pow3A = arith.mulf %sub3A_128, %sub3A_128 : vector<64x1xf32>
    %reduce_sum3A_129 = vector.shape_cast %integer_pow3A : vector<64x1xf32> to vector<1x64x1xf32>
    %reduce_sum3A_130 = arith.constant dense<0.000000e+00> : vector<1xf32>
    %reduce_sum3A_131 = vector.multi_reduction <add>, %reduce_sum3A_129, %reduce_sum3A_130 [1, 2] : vector<1x64x1xf32> to vector<1xf32>
    %reduce_sum3A_132 = vector.shape_cast %reduce_sum3A_131 : vector<1xf32> to vector<1x1x1xf32>
    %reduce_sum3A_133 = vector.extract %reduce_sum3A_132[0, 0, 0] : f32 from vector<1x1x1xf32>
    %div3A_134 = arith.constant 6.400000e+01 : f32
    %div3A_135 = arith.divf %reduce_sum3A_133, %div3A_134 : f32
    %sqrt3A = math.sqrt %div3A_135 : f32
    %max3A_136 = arith.constant 9.99999997E-7 : f32
    %max3A_137 = arith.maximumf %sqrt3A, %max3A_136 : f32
    %sub3A_138 = vector.broadcast %div3A_126 : f32 to vector<64x1xf32>
    %sub3A_139 = arith.subf %log3A, %sub3A_138 : vector<64x1xf32>
    %div3A_140 = vector.broadcast %max3A_137 : f32 to vector<64x1xf32>
    %div3A_141 = arith.divf %sub3A_139, %div3A_140 : vector<64x1xf32>
    %mul3A_142 = arith.constant -3.000000e+00 : f32
    %mul3A_143 = vector.broadcast %mul3A_142 : f32 to vector<64x1xf32>
    %mul3A_144 = arith.mulf %mul3A_143, %div3A_141 : vector<64x1xf32>
    %logistic3A_145 = arith.negf %mul3A_144 : vector<64x1xf32>
    %logistic3A_146 = math.exp %logistic3A_145 : vector<64x1xf32>
    %logistic3A_147 = arith.constant 1.000000e+00 : f32
    %logistic3A_148 = vector.broadcast %logistic3A_147 : f32 to vector<64x1xf32>
    %logistic3A_149 = arith.addf %logistic3A_148, %logistic3A_146 : vector<64x1xf32>
    %logistic3A_150 = arith.divf %logistic3A_148, %logistic3A_149 : vector<64x1xf32>
    %mul3A_151 = arith.constant 8.000000e-01 : f32
    %mul3A_152 = vector.broadcast %mul3A_151 : f32 to vector<64x1xf32>
    %mul3A_153 = arith.mulf %mul3A_152, %logistic3A_150 : vector<64x1xf32>
    %add3A_154 = arith.constant 2.000000e-01 : f32
    %add3A_155 = vector.broadcast %add3A_154 : f32 to vector<64x1xf32>
    %add3A_156 = arith.addf %add3A_155, %mul3A_153 : vector<64x1xf32>
    %mul3A_157 = arith.constant 0.699999988 : f32
    %mul3A_158 = vector.broadcast %mul3A_157 : f32 to vector<64x12xf32>
    %mul3A_159 = arith.mulf %mul3A_158, %add3A_120 : vector<64x12xf32>
    %mul3A_160 = arith.constant 3.000000e-01 : f32
    %mul3A_161 = vector.broadcast %mul3A_160 : f32 to vector<64x1xf32>
    %mul3A_162 = arith.mulf %mul3A_161, %add3A_156 : vector<64x1xf32>
    %add3A_163 = vector.broadcast %mul3A_162 : vector<64x1xf32> to vector<64x12xf32>
    %add3A_164 = arith.addf %mul3A_159, %add3A_163 : vector<64x12xf32>
    %swap3A = arith.constant 0 : index
    %swap3A_165 = arith.constant 0 : index
    %swap3A_166 = vector.load %arg19[%swap3A, %swap3A_165] : memref<64x12xf32, #tpu.memory_space<vmem>>, vector<64x12xf32>
    tpu.vector_store %arg19[%swap3A, %swap3A_165], %add3A_164 {strides = array<i32>} : memref<64x12xf32, #tpu.memory_space<vmem>>, vector<64x12xf32>,
    %get3A_167 = arith.constant 0 : index
    %get3A_168 = arith.constant 0 : index
    %get3A_169 = vector.load %arg13[%get3A_167, %get3A_168] : memref<12x64xf32, #tpu.memory_space<vmem>>, vector<12x64xf32>
    %dot_general3A_170 = arith.constant dense<0.000000e+00> : vector<64x12xf32>
    %dot_general3A_171 = tpu.matmul %max3A_99, %get3A_169, %dot_general3A_170 {dimension_numbers = #tpu.dot_dimension_numbers<[1], [1], [0], [0], [0, 0, 1, 0], [], []>, transpose_lhs_hint = false} : vector<64x64xf32>, vector<12x64xf32>, vector<64x12xf32> -> vector<64x12xf32>
    %get3A_172 = arith.constant 0 : index
    %get3A_173 = vector.load %arg14[%get3A_172] : memref<12xf32, #tpu.memory_space<vmem>>, vector<12xf32>
    %reshape3A_174 = vector.shape_cast %get3A_173 : vector<12xf32> to vector<1x12xf32>
    %add3A_175 = vector.broadcast %reshape3A_174 : vector<1x12xf32> to vector<64x12xf32>
    %add3A_176 = arith.addf %dot_general3A_171, %add3A_175 : vector<64x12xf32>
    %logistic3A_177 = arith.negf %add3A_176 : vector<64x12xf32>
    %logistic3A_178 = math.exp %logistic3A_177 : vector<64x12xf32>
    %logistic3A_179 = arith.constant 1.000000e+00 : f32
    %logistic3A_180 = vector.broadcast %logistic3A_179 : f32 to vector<64x12xf32>
    %logistic3A_181 = arith.addf %logistic3A_180, %logistic3A_178 : vector<64x12xf32>
    %logistic3A_182 = arith.divf %logistic3A_180, %logistic3A_181 : vector<64x12xf32>
    %swap3A_183 = arith.constant 0 : index
    %swap3A_184 = arith.constant 0 : index
    %swap3A_185 = vector.load %arg20[%swap3A_183, %swap3A_184] : memref<64x12xf32, #tpu.memory_space<vmem>>, vector<64x12xf32>
    tpu.vector_store %arg20[%swap3A_183, %swap3A_184], %logistic3A_182 {strides = array<i32>} : memref<64x12xf32, #tpu.memory_space<vmem>>, vector<64x12xf32>,
    %get3A_186 = arith.constant 0 : index
    %get3A_187 = arith.constant 0 : index
    %get3A_188 = vector.load %arg15[%get3A_186, %get3A_187] : memref<64x64xf32, #tpu.memory_space<vmem>>, vector<64x64xf32>
    %dot_general3A_189 = arith.constant dense<0.000000e+00> : vector<64x64xf32>
    %dot_general3A_190 = tpu.matmul %max3A_99, %get3A_188, %dot_general3A_189 {dimension_numbers = #tpu.dot_dimension_numbers<[1], [1], [0], [0], [0, 0, 1, 0], [], []>, transpose_lhs_hint = false} : vector<64x64xf32>, vector<64x64xf32>, vector<64x64xf32> -> vector<64x64xf32>
    %get3A_191 = arith.constant 0 : index
    %get3A_192 = vector.load %arg16[%get3A_191] : memref<64xf32, #tpu.memory_space<vmem>>, vector<64xf32>
    %reshape3A_193 = vector.shape_cast %get3A_192 : vector<64xf32> to vector<1x64xf32>
    %add3A_194 = vector.broadcast %reshape3A_193 : vector<1x64xf32> to vector<64x64xf32>
    %add3A_195 = arith.addf %dot_general3A_190, %add3A_194 : vector<64x64xf32>
    %max3A_196 = arith.constant 0.000000e+00 : f32
    %max3A_197 = vector.broadcast %max3A_196 : f32 to vector<64x64xf32>
    %max3A_198 = arith.maximumf %add3A_195, %max3A_197 : vector<64x64xf32>
    %get3A_199 = arith.constant 0 : index
    %get3A_200 = arith.constant 0 : index
    %get3A_201 = vector.load %arg17[%get3A_199, %get3A_200] : memref<144x64xf32, #tpu.memory_space<vmem>>, vector<144x64xf32>
    %dot_general3A_202 = arith.constant dense<0.000000e+00> : vector<64x144xf32>
    %dot_general3A_203 = tpu.matmul %max3A_198, %get3A_201, %dot_general3A_202 {dimension_numbers = #tpu.dot_dimension_numbers<[1], [1], [0], [0], [0, 0, 1, 0], [], []>, transpose_lhs_hint = false} : vector<64x64xf32>, vector<144x64xf32>, vector<64x144xf32> -> vector<64x144xf32>
    %get3A_204 = arith.constant 0 : index
    %get3A_205 = vector.load %arg18[%get3A_204] : memref<144xf32, #tpu.memory_space<vmem>>, vector<144xf32>
    %reshape3A_206 = vector.shape_cast %get3A_205 : vector<144xf32> to vector<1x144xf32>
    %add3A_207 = vector.broadcast %reshape3A_206 : vector<1x144xf32> to vector<64x144xf32>
    %add3A_208 = arith.addf %dot_general3A_203, %add3A_207 : vector<64x144xf32>
    %logistic3A_209 = arith.negf %add3A_208 : vector<64x144xf32>
    %logistic3A_210 = math.exp %logistic3A_209 : vector<64x144xf32>
    %logistic3A_211 = arith.constant 1.000000e+00 : f32
    %logistic3A_212 = vector.broadcast %logistic3A_211 : f32 to vector<64x144xf32>
    %logistic3A_213 = arith.addf %logistic3A_212, %logistic3A_210 : vector<64x144xf32>
    %logistic3A_214 = arith.divf %logistic3A_212, %logistic3A_213 : vector<64x144xf32>
    %mul3A_215 = arith.constant 0.949999988 : f32
    %mul3A_216 = vector.broadcast %mul3A_215 : f32 to vector<64x144xf32>
    %mul3A_217 = arith.mulf %mul3A_216, %logistic3A_214 : vector<64x144xf32>
    %add3A_218 = arith.constant 5.000000e-02 : f32
    %add3A_219 = vector.broadcast %add3A_218 : f32 to vector<64x144xf32>
    %add3A_220 = arith.addf %add3A_219, %mul3A_217 : vector<64x144xf32>
    %mul3A_221 = arith.constant -2.000000e+00 : f32
    %mul3A_222 = vector.broadcast %mul3A_221 : f32 to vector<64x1xf32>
    %mul3A_223 = arith.mulf %mul3A_222, %div3A_141 : vector<64x1xf32>
    %logistic3A_224 = arith.negf %mul3A_223 : vector<64x1xf32>
    %logistic3A_225 = math.exp %logistic3A_224 : vector<64x1xf32>
    %logistic3A_226 = arith.constant 1.000000e+00 : f32
    %logistic3A_227 = vector.broadcast %logistic3A_226 : f32 to vector<64x1xf32>
    %logistic3A_228 = arith.addf %logistic3A_227, %logistic3A_225 : vector<64x1xf32>
    %logistic3A_229 = arith.divf %logistic3A_227, %logistic3A_228 : vector<64x1xf32>
    %mul3A_230 = arith.constant 0.949999988 : f32
    %mul3A_231 = vector.broadcast %mul3A_230 : f32 to vector<64x1xf32>
    %mul3A_232 = arith.mulf %mul3A_231, %logistic3A_229 : vector<64x1xf32>
    %add3A_233 = arith.constant 5.000000e-02 : f32
    %add3A_234 = vector.broadcast %add3A_233 : f32 to vector<64x1xf32>
    %add3A_235 = arith.addf %add3A_234, %mul3A_232 : vector<64x1xf32>
    %mul3A_236 = arith.constant 0.699999988 : f32
    %mul3A_237 = vector.broadcast %mul3A_236 : f32 to vector<64x144xf32>
    %mul3A_238 = arith.mulf %mul3A_237, %add3A_220 : vector<64x144xf32>
    %mul3A_239 = arith.constant 3.000000e-01 : f32
    %mul3A_240 = vector.broadcast %mul3A_239 : f32 to vector<64x1xf32>
    %mul3A_241 = arith.mulf %mul3A_240, %add3A_235 : vector<64x1xf32>
    %add3A_242 = vector.broadcast %mul3A_241 : vector<64x1xf32> to vector<64x144xf32>
    %add3A_243 = arith.addf %mul3A_238, %add3A_242 : vector<64x144xf32>
    %reshape3A_244 = vector.shape_cast %add3A_243 : vector<64x144xf32> to vector<64x12x12xf32>
    %swap3A_245 = arith.constant 0 : index
    %swap3A_246 = arith.constant 0 : index
    %swap3A_247 = arith.constant 0 : index
    %swap3A_248 = vector.load %arg21[%swap3A_245, %swap3A_246, %swap3A_247] : memref<64x12x12xf32, #tpu.memory_space<vmem>>, vector<64x12x12xf32>
    tpu.vector_store %arg21[%swap3A_245, %swap3A_246, %swap3A_247], %reshape3A_244 {strides = array<i32>} : memref<64x12x12xf32, #tpu.memory_space<vmem>>, vector<64x12x12xf32>,
    return
  }
  func.func @transform_0(%arg0: i32) -> i32 {
    %c0_i32 = arith.constant 0 : i32
    %c0_i32_0 = arith.constant 0 : i32
    return %c0_i32 : i32
  }
  func.func @transform_1(%arg0: i32) -> i32 {
    %c1_i32 = arith.constant 1 : i32
    %c0_i32 = arith.constant 0 : i32
    return %c1_i32 : i32
  }
  func.func @transform_2(%arg0: i32) -> i32 {
    %c0_i32 = arith.constant 0 : i32
    %c0_i32_0 = arith.constant 0 : i32
    return %c0_i32 : i32
  }
  func.func @transform_3(%arg0: i32) -> (i32, i32) {
    %c0_i32 = arith.constant 0 : i32
    %c0_i32_0 = arith.constant 0 : i32
    %c0_i32_1 = arith.constant 0 : i32
    return %c0_i32, %c0_i32_0 : i32, i32
  }
  func.func @transform_4(%arg0: i32) -> (i32, i32) {
    %c0_i32 = arith.constant 0 : i32
    %c0_i32_0 = arith.constant 0 : i32
    %c0_i32_1 = arith.constant 0 : i32
    return %c0_i32, %c0_i32_0 : i32, i32
  }
  func.func @transform_5(%arg0: i32) -> i32 {
    %c0_i32 = arith.constant 0 : i32
    %c0_i32_0 = arith.constant 0 : i32
    return %c0_i32 : i32
  }
  func.func @transform_6(%arg0: i32) -> (i32, i32) {
    %c0_i32 = arith.constant 0 : i32
    %c0_i32_0 = arith.constant 0 : i32
    %c0_i32_1 = arith.constant 0 : i32
    return %c0_i32, %c0_i32_0 : i32, i32
  }
  func.func @transform_7(%arg0: i32) -> i32 {
    %c0_i32 = arith.constant 0 : i32
    %c0_i32_0 = arith.constant 0 : i32
    return %c0_i32 : i32
  }
  func.func @transform_8(%arg0: i32) -> (i32, i32) {
    %c0_i32 = arith.constant 0 : i32
    %c0_i32_0 = arith.constant 0 : i32
    %c0_i32_1 = arith.constant 0 : i32
    return %c0_i32, %c0_i32_0 : i32, i32
  }
  func.func @transform_9(%arg0: i32) -> i32 {
    %c0_i32 = arith.constant 0 : i32
    %c0_i32_0 = arith.constant 0 : i32
    return %c0_i32 : i32
  }
  func.func @transform_10(%arg0: i32) -> (i32, i32) {
    %c0_i32 = arith.constant 0 : i32
    %c0_i32_0 = arith.constant 0 : i32
    %c0_i32_1 = arith.constant 0 : i32
    return %c0_i32, %c0_i32_0 : i32, i32
  }
  func.func @transform_11(%arg0: i32) -> i32 {
    %c0_i32 = arith.constant 0 : i32
    %c0_i32_0 = arith.constant 0 : i32
    return %c0_i32 : i32
  }
  func.func @transform_12(%arg0: i32) -> (i32, i32) {
    %c0_i32 = arith.constant 0 : i32
    %c0_i32_0 = arith.constant 0 : i32
    %c0_i32_1 = arith.constant 0 : i32
    return %c0_i32, %c0_i32_0 : i32, i32
  }
  func.func @transform_13(%arg0: i32) -> i32 {
    %c0_i32 = arith.constant 0 : i32
    %c0_i32_0 = arith.constant 0 : i32
    return %c0_i32 : i32
  }
  func.func @transform_14(%arg0: i32) -> (i32, i32) {
    %c0_i32 = arith.constant 0 : i32
    %c0_i32_0 = arith.constant 0 : i32
    %c0_i32_1 = arith.constant 0 : i32
    return %c0_i32, %c0_i32_0 : i32, i32
  }
  func.func @transform_15(%arg0: i32) -> i32 {
    %c0_i32 = arith.constant 0 : i32
    %c0_i32_0 = arith.constant 0 : i32
    return %c0_i32 : i32
  }
  func.func @transform_16(%arg0: i32) -> (i32, i32) {
    %c0_i32 = arith.constant 0 : i32
    %c0_i32_0 = arith.constant 0 : i32
    %c0_i32_1 = arith.constant 0 : i32
    return %c0_i32, %c0_i32_0 : i32, i32
  }
  func.func @transform_17(%arg0: i32) -> i32 {
    %c0_i32 = arith.constant 0 : i32
    %c0_i32_0 = arith.constant 0 : i32
    return %c0_i32 : i32
  }
  func.func @transform_18(%arg0: i32) -> (i32, i32) {
    %c0_i32 = arith.constant 0 : i32
    %c0_i32_0 = arith.constant 0 : i32
    %c0_i32_1 = arith.constant 0 : i32
    return %c0_i32, %c0_i32_0 : i32, i32
  }
  func.func @transform_19(%arg0: i32) -> (i32, i32) {
    %c0_i32 = arith.constant 0 : i32
    %c0_i32_0 = arith.constant 0 : i32
    %c0_i32_1 = arith.constant 0 : i32
    return %c0_i32, %c0_i32_0 : i32, i32
  }
  func.func @transform_20(%arg0: i32) -> (i32, i32, i32) {
    %c0_i32 = arith.constant 0 : i32
    %c0_i32_0 = arith.constant 0 : i32
    %c0_i32_1 = arith.constant 0 : i32
    %c0_i32_2 = arith.constant 0 : i32
    return %c0_i32, %c0_i32_0, %c0_i32_1 : i32, i32, i32
  }
}

</mosaic_0001>

<sc_bundles>
// kernel: kernel.6.cloned.1.call-start
scs
__scs_entry_jumppad:
0x0: {  	(pc) =	sbr.rel $0x88, $3  }
0x1: {  	(tag) =	ssettag $0x0;
	lr =	simm.s32 $0x1  }
0x2: {  	[smem:$0x3F90] =	sst lr;
	_ =	strace $0xD0000000  }
0x3: {  	_ = 	snop  }
0x4: {  	_ = 	snop  }
0x5: {  	_ = 	snop  }
0x6: {  	_ = 	snop  }
0x7: {  	_ = 	snop  }
__scs_overlays_trampoline_lowered:
0x8: {  	[smem:$0x3F9F] =	sst s0  }
0x9: {  	[smem:$0x3FA0] =	sst s1  }
0xa: {  	[smem:$0x3FA1] =	sst s2  }
0xb: {  	[smem:$0x3FA2] =	sst s3  }
0xc: {  	[smem:$0x3FA3] =	sst s4  }
0xd: {  	[smem:$0x3FA4] =	sst s5  }
0xe: {  	[smem:$0x3FA5] =	sst s6  }
0xf: {  	[smem:$0x3FA6] =	sst s7  }
0x10: {  	[smem:$0x3FA7] =	sst s8  }
0x11: {  	[smem:$0x3FA8] =	sst s9;
	s0 =	simm.s32 @!p0 $0x0  }
0x12: {  	s1 =	sld [smem:$0x3F8E];
	s0 =	simm.s32 @p0 $0x1  }
0x13: {  	[smem:$0x3FA9] =	sst s0;
	s0 =	simm.s32 @!p1 $0x0  }
0x14: {  	s2 =	sld [smem:$0x3F8D];
	s0 =	simm.s32 @p1 $0x1  }
0x15: {  	[smem:$0x3FAA] =	sst s0;
	s0 =	simm.s32 @!p2 $0x0  }
0x16: {  	s3 =	sld [smem:$0x3FDB];
	s0 =	simm.s32 @p2 $0x1  }
0x17: {  	s4 =	simm.s32 $0x1BF5;
	[smem:$0x3FAC] =	sst s0  }
0x18: {  	s0 =	sld [smem:$0x3F8F];
	_ =	swait.ge [sflag:s4], $0x0  }
0x19: {  	s7 =	sld [smem:$0x3F90]  }
0x1a: {  	s8 =	sadd.s32 $0xFFFFE003, lr  }
0x1b: {  	s9 =	sadd.s32 $0xFFFFFEF7, lr;
	s5 =	simm.s32 $0xFFFFFFFF;
	p2 =	slt.u32 s8, $0xFFFFF086  }
0x1c: {  	p1 =	slt.u32 s9, $0xF7A;
	s5 =	simm.s32 @!p2 $0x0  }
0x1d: {  	s5 =	simm.s32 @p1 $0x1;
	p0 =	seq.s32 s7, s2  }
0x1e: {  	s7 =	smul.u32 @!p0 $0xF7A, s2;
	p2 =	seq.s32 @!p0 s5, $0x0  }
0x1f: {  	s9 =	smul.u32 $0xF7A, s1;
	s8 =	simm.s32 @!p0 $0x1BF5;
	p2 =	por !p2, p0  }
0x20: {  	[sflag:s8] =	ssyncset.s32 @!p0 $0xFFFFF086;
	s6 =	sadd.s32 @!p0 s3, s7;
	s7 =	simm.s32 @!p0 $0x108  }
0x21: {  	s3 =	sadd.s32 s3, s9;
	s6 =	sadd.s32 @!p0 $0x88, s6;
	s7 =	simm.s32 @p2 $0x1082  }
0x22: {  	[simem:s7], [sflag:s8] =	dma.local @!p0 [hbm:s6], $0xF7A  }
0x23: {  	s9 =	sor.u32 $0xD0000000, s2;
	s6 =	simm.s32 $0x108;
	_ =	swait.ge @!p0 [sflag:s8], $0x0  }
0x24: {  	s3 =	sadd.s32 $0x88, s3;
	s6 =	simm.s32 @!p1 $0x1082;
	[sflag:s4] =	ssyncset.s32 $0xFFFFF086  }
0x25: {  	[simem:s6], [sflag:s4] =	dma.local [hbm:s3], $0xF7A  }
0x26: {  	[smem:$0x3F90] =	sst s1;
	(tag) =	ssettag s2;
	_ =	strace s9  }
0x27: {  	s1 =	sld [smem:$0x3FA0]  }
0x28: {  	s2 =	sld [smem:$0x3FA1]  }
0x29: {  	s4 =	sld [smem:$0x3FA3]  }
0x2a: {  	p0 =	seq.s32 s5, $0x0;
	s5 =	sld [smem:$0x3FA4]  }
0x2b: {  	s6 =	sld [smem:$0x3FA5]  }
0x2c: {  	s7 =	sld [smem:$0x3FA6]  }
0x2d: {  	s3 =	simm.s32 $0x108;
	s8 =	sld [smem:$0x3FA7]  }
0x2e: {  	s3 =	simm.s32 @!p0 $0x1082;
	s9 =	sld [smem:$0x3FA8]  }
0x2f: {  	lr =	sadd.s32 s0, s3;
	s0 =	sld [smem:$0x3F9F]  }
0x30: {  	s3 =	sld [smem:$0x3FA2]  }
0x31: {  	[smem:$0x3FAB] =	sst s10  }
0x32: {  	s10 =	sld [smem:$0x3FA9];
	_ =	sdelay $0x3  }
0x33: {  	p0 =	seq.s32 s10, $0x1;
	s10 =	sld [smem:$0x3FAB];
	_ =	sdelay $0x3  }
0x34: {  	[smem:$0x3FAB] =	sst s10  }
0x35: {  	s10 =	sld [smem:$0x3FAA];
	_ =	sdelay $0x3  }
0x36: {  	p1 =	seq.s32 s10, $0x1;
	s10 =	sld [smem:$0x3FAB];
	_ =	sdelay $0x3  }
0x37: {  	[smem:$0x3FAB] =	sst s10  }
0x38: {  	s10 =	sld [smem:$0x3FAC]  }
0x39: {  	_ = 	snop;
	(pc) =	sbr.ind lr, $3  }
0x3a: {  	_ = 	snop  }
0x3b: {  	_ = 	snop  }
0x3c: {  	p2 =	seq.s32 s10, $0x1;
	s10 =	sld [smem:$0x3FAB]  }
0x3d: {  	_ =	shalt  }
0x3e: {  	_ =	shalt  }
0x3f: {  	_ =	shalt  }
0x40: {  	_ =	shalt  }
0x41: {  	_ =	shalt  }
0x42: {  	_ =	shalt  }
0x43: {  	_ =	shalt  }
0x44: {  	_ =	shalt  }
0x45: {  	_ =	shalt  }
0x46: {  	_ =	shalt  }
0x47: {  	_ =	shalt  }
0x48: {  	_ =	shalt  }
0x49: {  	_ =	shalt  }
0x4a: {  	_ =	shalt  }
0x4b: {  	_ =	shalt  }
0x4c: {  	_ =	shalt  }
0x4d: {  	_ =	shalt  }
0x4e: {  	_ =	shalt  }
0x4f: {  	_ =	shalt  }
0x50: {  	_ =	shalt  }
0x51: {  	_ =	shalt  }
0x52: {  	_ =	shalt  }
0x53: {  	_ =	shalt  }
0x54: {  	_ =	shalt  }
0x55: {  	_ =	shalt  }
0x56: {  	_ =	shalt  }
0x57: {  	_ =	shalt  }
0x58: {  	_ =	shalt  }
0x59: {  	_ =	shalt  }
0x5a: {  	_ =	shalt  }
0x5b: {  	_ =	shalt  }
0x5c: {  	_ =	shalt  }
0x5d: {  	_ =	shalt  }
0x5e: {  	_ =	shalt  }
0x5f: {  	_ =	shalt  }
0x60: {  	_ =	shalt  }
0x61: {  	_ =	shalt  }
0x62: {  	_ =	shalt  }
0x63: {  	_ =	shalt  }
0x64: {  	_ =	shalt  }
0x65: {  	_ =	shalt  }
0x66: {  	_ =	shalt  }
0x67: {  	_ =	shalt  }
0x68: {  	_ =	shalt  }
0x69: {  	_ =	shalt  }
0x6a: {  	_ =	shalt  }
0x6b: {  	_ =	shalt  }
0x6c: {  	_ =	shalt  }
0x6d: {  	_ =	shalt  }
0x6e: {  	_ =	shalt  }
0x6f: {  	_ =	shalt  }
0x70: {  	_ =	shalt  }
0x71: {  	_ =	shalt  }
0x72: {  	_ =	shalt  }
0x73: {  	_ =	shalt  }
0x74: {  	_ =	shalt  }
0x75: {  	_ =	shalt  }
0x76: {  	_ =	shalt  }
0x77: {  	_ =	shalt  }
0x78: {  	_ =	shalt  }
0x79: {  	_ =	shalt  }
0x7a: {  	_ =	shalt  }
0x7b: {  	_ =	shalt  }
0x7c: {  	_ =	shalt  }
0x7d: {  	_ =	shalt  }
0x7e: {  	_ =	shalt  }
0x7f: {  	_ =	shalt  }
0x80: {  	_ =	shalt  }
0x81: {  	_ =	shalt  }
0x82: {  	_ =	shalt  }
0x83: {  	_ =	shalt  }
0x84: {  	_ =	shalt  }
0x85: {  	_ =	shalt  }
0x86: {  	_ =	shalt  }
0x87: {  	_ =	shalt  }
.Lfunc_end0:
.L_simem_size_0:
called_computation_lowered:
.L_overlay_start_0:
0x88: {  	s2 =	sld [smem:$0x3FD9]  }
0x89: {  	s3 =	sld [smem:$0x3FFE];
	_ =	sdelay $0x1  }
0x8a: {  	s1 =	srdreg.scid  }
0x8b: {  	s0 =	sand.u32 $0x1, s1  }
0x8c: {  	s14 =	sshll.u32 s0, $0xA;
	s2 =	sadd.s32 s3, s2  }
0x8d: {  	s2 =	sadd.s32 s2, s14  }
0x8e: {  	[smem:$0x3FB7] =	sst s2  }
0x8f: {  	_ = 	snop  }
0x90: {  	s2 =	sld [smem:$0x3FD0];
	_ =	sdelay $0x2  }
0x91: {  	s15 =	simm.s32 $0xA;
	s4 =	simm.s32 $0x10  }
0x92: {  	[smem:s4], [sflag:s15] =	dma.local [hbm:s2], $0x1  }
0x93: {  	_ =	swait.eq [sflag:s15], $0x1  }
0x94: {  	[sflag:s15] =	ssyncset.done $0x0  }
0x95: {  	[sflag:s15] =	ssyncadd.s32 $0xFFFFFFFF  }
0x96: {  	s16 =	sld [smem:$0x12];
	(tm) =	ssettm $0x1  }
0x97: {  	s17 =	sld [smem:$0x3FFB];
	_ =	sdelay $0x3  }
0x98: {  	_ =	strace s17  }
0x99: {  	s3 =	sld [smem:$0x3FFC];
	_ =	sdelay $0x3  }
0x9a: {  	_ =	strace s3  }
0x9b: {  	s3 =	sld [smem:$0x3FFD];
	_ =	sdelay $0x3  }
0x9c: {  	_ =	strace s3  }
0x9d: {  	_ =	strace $0x8FFFFFFF  }
0x9e: {  	s18 =	sld [smem:$0x3FDB];
	_ =	sdelay $0x1  }
0x9f: {  	s19 =	simm.s32 $_scs_section_size  }
0xa0: {  	s5 =	simm.s32 $_size__tile_overlayer_lowered;
	s6 =	simm.s32 $_tile_overlayer_lowered  }
0xa1: {  	s22 =	simm.s32 $0x1BFF;
	s21 =	sshll.u32 s6, $0x1;
	s3 =	sadd.s32 s19, s18  }
0xa2: {  	s7 =	simm.s32 $0x0;
	s20 =	sshll.u32 s5, $0x1;
	s5 =	sadd.s32 s21, s3  }
0xa3: {  	[timem:s7], [sflag:s22] =	dma.local [hbm:s5], s20  }
0xa4: {  	_ =	swait.ge [sflag:s22], s20  }
0xa5: {  	s4 =	ssub.s32 $0x0, s20;
	[sflag:s22] =	ssyncset.done $0x0  }
0xa6: {  	[sflag:s22] =	ssyncadd.s32 s4;
	_ =	sdelay $0x1  }
0xa7: {  	s23 =	simm.s32 $0x1B8B  }
0xa8: {  	_ =	swait.ge [sflag:s23], $0x1  }
0xa9: {  	[sflag:s23] =	ssyncset.done $0x0  }
0xaa: {  	s25 =	simm.s32 $0x1B8E;
	s24 =	sld [smem:$0x3FFE];
	[sflag:s23] =	ssyncadd.s32 $0xFFFFFFFF  }
0xab: {  	s26 =	simm.s32 $execute0_lowered;
	[smem:$0x3FD2] =	sst s25  }
0xac: {  	s5 =	sshll.u32 s26, $0x1;
	_ =	strace $0x80000046;
	[dreg:$0x1] =	wrdreg $0xFFFFFFFF  }
0xad: {  	s28 =	simm.s32 $_size_execute0_lowered;
	s3 =	sadd.s32 s3, s5;
	[dreg:$0x0] =	wrdreg $0x0  }
0xae: {  	s5 =	sshll.u32 s28, $0x1;
	[dreg:$0x2] =	wrdreg s3  }
0xaf: {  	[dreg:$0x3] =	wrdreg s5  }
0xb0: {  	[dreg:$0x4] =	wrdreg $0xC0  }
0xb1: {  	_ =	task [dreg:s7], $0x5FFFF  }
0xb2: {  	[dreg:$0x1] =	wrdreg $0xFFFFFFFF  }
0xb3: {  	[dreg:$0x0] =	wrdreg $0x60  }
0xb4: {  	[dreg:$0x2] =	wrdreg s24  }
0xb5: {  	[dreg:$0x3] =	wrdreg s16  }
0xb6: {  	[dreg:$0x4] =	wrdreg $0x7A000  }
0xb7: {  	[dreg:$0x5] =	wrdreg $0x9  }
0xb8: {  	_ =	task.clear_ibuf [dreg:s7], $0x6FFFF;
	_ =	strace $0x90000046  }
0xb9: {  	s29 =	simm.s32 $0x9;
	_ =	strace $0x80000048  }
0xba: {  	_ =	swait.ge [sflag:s29], $0x1  }
0xbb: {  	[sflag:s29] =	ssyncadd.s32 $0xFFFFFFFF  }
0xbc: {  	_ =	strace $0x90000048  }
0xbd: {  	_ =	sfence  }
0xbe: {  	s30 =	sld [smem:$0x0];
	_ =	sdelay $0x2  }
0xbf: {  	s31 =	sshll.u32 s1, $0xD;
	s1 =	sshrl.u32 s1, $0x2  }
0xc0: {  	s3 =	sand.u32 $0x4000, s31;
	s1 =	sadd.s32 s1, s30  }
0xc1: {  	s0 =	sor.u32 s3, s0;
	s1 =	sshll.u32 s1, $0x11  }
0xc2: {  	s0 =	sor.u32 s1, s0  }
0xc3: {  	s0 =	sadd.s32 $0x8F2B, s0  }
0xc4: {  	[sflag:s0] =	ssyncadd.remote.s32 $0x1  }
0xc5: {  	_ =	sfence.sel $0xFFFF  }
0xc6: {  	[dreg:$0x0] =	wrdreg $0xFFFFFFFF;
	(pc) =	sbr.abs _section_cstart, $3  }
0xc7: {  	[dreg:$0x1] =	wrdreg $0xFFFFFFFF  }
0xc8: {  	_ =	task.clear_ibuf [dreg:s7], $0x2FFFF;
	_ =	strace $0x9FFFFFFF  }
0xc9: {  	(tm) =	ssettm $0x7FFFFFFF  }
tec
execute0_lowered:
.L_overlay_start_1:
0x0: {  	(tag) =	ssettag $0x1  }
0x1: {  	s0 =	rddreg [dreg:$0x0]  }
0x2: {  	s1 =	srdreg.scid;
	s21 =	rddreg [dreg:$0x1]  }
0x3: {  	s8 =	stileid.u32;
	s5 =	rddreg [dreg:$0x2]  }
0x4: {  	s23 =	simm.s32 $0x1;
	s24 =	simm.s32 $0x2780;
	s25 =	simm.s32 $0x3  }
0x5: {  	s29 =	simm.s32 $0x2;
	s31 =	simm.s32 $0x0;
	s6 =	smul.u32 $0xA000, s8  }
0x6: {  	s1 =	sand.u32 $0x1, s1;
	s2 =	sshll.u32 s8, $0x1;
	s19 =	smul.u32 $0x280, s8  }
0x7: {  	s3 =	sor.u32 s1, s2;
	s2 =	simm.s32 $0x0;
	s30 =	smul.u32 $0x2800, s1  }
0x8: {  	s4 =	ssub.s32 $0x2, s1;
	s3 =	smul.u32 $0x4E2, s3;
	[smem:$0x7FF] =	sst s2  }
0x9: {  	s7 =	sshrl.u32 s4, $0x1;
	s28 =	sshrl.u32 s6, $0x2;
	_ =	strace $0x80000047  }
0xa: {  	s22 =	ssub.s32 s4, s7;
	s4 =	sadd.s32 s28, s5;
	s5 =	sadd.s32 s19, s5  }
0xb: {  	s0 =	sadd.s32 s3, s0;
	s6 =	sadd.s32 $0x2800, s5;
	s7 =	sadd.s32 $0x5000, s5  }
0xc: {  	s8 =	sadd.s32 $0x7800, s5;
	s9 =	sadd.s32 $0xA000, s5;
	s10 =	sadd.s32 $0xC800, s5  }
0xd: {  	s11 =	sadd.s32 $0xF000, s5;
	s12 =	sadd.s32 $0x11800, s5;
	s13 =	sadd.s32 $0x14000, s5  }
0xe: {  	s14 =	sadd.s32 $0x16800, s5;
	s15 =	sadd.s32 $0x19000, s5;
	s16 =	sadd.s32 $0x1B800, s5  }
0xf: {  	s17 =	sadd.s32 $0x1E000, s5;
	s3 =	sadd.s32 $0x3000, s0;
	s0 =	sadd.s32 s19, s30  }
0x10: {  	s18 =	sadd.s32 $0x20800, s5;
	s20 =	sadd.s32 $0x25800, s5;
	s0 =	sshrl.u32 s0, $0x3  }
0x11: {  	v0 =	vimm.f32 $0.0e+00;
	v1 =	vimm.f32 $1.000000000e+00;
	s22 =	smax.u32 s22, $0x1;
	s19 =	sadd.s32 $0x23000, s5;
	s21 =	sadd.s32 s21, s0  }
.LBB2_1:
0x12: {  	[tilespmem:s2], [sflag:$0x1] =	stream.linear.gather [hbm4b:s3+s2], $0x2710, $0x38;
	[tilespmem:$0xA200] =	vst v63  }
0x13: {  	s0 =	simm.s32 $0x27C0  }
0x14: {  	[tilespmem:s0+$0xFFFFFFC0] =	vst v0  }
0x15: {  	[tilespmem:s0+$0x30] =	vst v0  }
0x16: {  	[tilespmem:s0+$0x20] =	vst v0  }
0x17: {  	[tilespmem:s0+$0x10] =	vst v0  }
0x18: {  	[tilespmem:s0+$0x0] =	vst v0  }
0x19: {  	[tilespmem:s0+$0xFFFFFFF0] =	vst v0  }
0x1a: {  	s1 =	simm.s32 $0x0;
	[tilespmem:s0+$0xFFFFFFE0] =	vst v0  }
.LBB2_2:
0x1b: {  	s1 =	sadd.s32 $0x8, s1;
	[tilespmem:s0+$0xFFFFFFD0] =	vst v0;
	s0 =	sadd.s32 $0x80, s0  }
0x1c: {  	[tilespmem:s0+$0xFFFFFFC0] =	vst v0;
	p0 =	slt.u32 s1, $0x278  }
0x1d: {  	[tilespmem:s0+$0x30] =	vst v0  }
.Ltmp0:
0x1e: {  	[tilespmem:s0+$0x20] =	vst v0;
	(pc) =	sbr.rel @p0 .LBB2_2-.Ltmp0, $4  }
0x1f: {  	[tilespmem:s0+$0x10] =	vst v0  }
0x20: {  	[tilespmem:s0+$0x0] =	vst v0  }
0x21: {  	[tilespmem:s0+$0xFFFFFFF0] =	vst v0  }
0x22: {  	[tilespmem:s0+$0xFFFFFFE0] =	vst v0  }
0x23: {  	[tilespmem:s0+$0xFFFFFFD0] =	vst v0  }
0x24: {  	_ =	swait.ge [sflag:s23], $0x2710  }
0x25: {  	[sflag:s23] =	ssyncset.done $0x0  }
0x26: {  	s0 =	simm.s32 $0xFFFFFFF8;
	s1 =	simm.s32 $0x40;
	[sflag:s23] =	ssyncadd.s32 $0xFFFFD8F0  }
.LBB2_4:
0x27: {  	v2 =	vld [tilespmem:s1+$0xFFFFFFC0];
	_ =	sdelay $0x7  }
0x28: {  	[tilespmem:v2+s24+$0x0] =	vst.idx.add.f32.msk $0xffff, v1  }
0x29: {  	v2 =	vld [tilespmem:s1+$0xFFFFFFD0];
	_ =	sdelay $0x7  }
0x2a: {  	[tilespmem:v2+s24+$0x0] =	vst.idx.add.f32.msk $0xffff, v1  }
0x2b: {  	v2 =	vld [tilespmem:s1+$0xFFFFFFE0];
	_ =	sdelay $0x7  }
0x2c: {  	[tilespmem:v2+s24+$0x0] =	vst.idx.add.f32.msk $0xffff, v1  }
0x2d: {  	v2 =	vld [tilespmem:s1+$0xFFFFFFF0];
	_ =	sdelay $0x7  }
0x2e: {  	[tilespmem:v2+s24+$0x0] =	vst.idx.add.f32.msk $0xffff, v1  }
0x2f: {  	v2 =	vld [tilespmem:s1+$0x0];
	_ =	sdelay $0x7  }
0x30: {  	[tilespmem:v2+s24+$0x0] =	vst.idx.add.f32.msk $0xffff, v1  }
0x31: {  	v2 =	vld [tilespmem:s1+$0x10];
	_ =	sdelay $0x7  }
0x32: {  	[tilespmem:v2+s24+$0x0] =	vst.idx.add.f32.msk $0xffff, v1  }
0x33: {  	v2 =	vld [tilespmem:s1+$0x20];
	_ =	sdelay $0x7  }
0x34: {  	[tilespmem:v2+s24+$0x0] =	vst.idx.add.f32.msk $0xffff, v1  }
0x35: {  	v2 =	vld [tilespmem:s1+$0x30];
	_ =	sdelay $0x1  }
0x36: {  	s0 =	sadd.s32 $0x8, s0  }
0x37: {  	p0 =	slt.u32 s0, $0x268  }
.Ltmp1:
0x38: {  	_ = 	snop;
	(pc) =	sbr.rel @p0 .LBB2_4-.Ltmp1, $2  }
0x39: {  	_ =	sdelay $0x2  }
0x3a: {  	s1 =	sadd.s32 $0x80, s1;
	[tilespmem:v2+s24+$0x0] =	vst.idx.add.f32.msk $0xffff, v1  }
0x3b: {  	v2 =	vld [tilespmem:$0x2700];
	_ =	sdelay $0x7  }
0x3c: {  	[tilespmem:v2+s24+$0x0] =	vst.idx.add.f32.msk $0xffff, v1  }
0x3d: {  	[spmem:s4] =	stream.linear.scatter [tilespmem:s24], [sflag:$0x3], $0x2800, $0x38;
	[tilespmem:$0xA200] =	vst v63  }
0x3e: {  	_ =	swait.ge [sflag:s25], $0x2800  }
0x3f: {  	[sflag:s25] =	ssyncset.done $0x0  }
0x40: {  	[sflag:s25] =	ssyncadd.s32 $0xFFFFD800  }
0x41: {  	s0 =	simm.s32 $0x4F80;
	[bflag:$0x0] =	sbarrier.arrive $0xFFFF  }
0x42: {  	[tilespmem:s0], [sflag:$0x2] =	stream.linear.gather [spmem:s5], $0x280, $0x38;
	[tilespmem:$0xA200] =	vst v63  }
0x43: {  	s1 =	simm.s32 $0x5200  }
0x44: {  	[tilespmem:s1], [sflag:$0x2] =	stream.linear.gather [spmem:s6], $0x280, $0x38;
	[tilespmem:$0xA200] =	vst v63  }
0x45: {  	s2 =	simm.s32 $0x5480  }
0x46: {  	[tilespmem:s2], [sflag:$0x2] =	stream.linear.gather [spmem:s7], $0x280, $0x38;
	[tilespmem:$0xA200] =	vst v63  }
0x47: {  	s26 =	simm.s32 $0x5700  }
0x48: {  	[tilespmem:s26], [sflag:$0x2] =	stream.linear.gather [spmem:s8], $0x280, $0x38;
	[tilespmem:$0xA200] =	vst v63  }
0x49: {  	s1 =	simm.s32 $0x5980  }
0x4a: {  	[tilespmem:s1], [sflag:$0x2] =	stream.linear.gather [spmem:s9], $0x280, $0x38;
	[tilespmem:$0xA200] =	vst v63  }
0x4b: {  	s2 =	simm.s32 $0x5C00  }
0x4c: {  	[tilespmem:s2], [sflag:$0x2] =	stream.linear.gather [spmem:s10], $0x280, $0x38;
	[tilespmem:$0xA200] =	vst v63  }
0x4d: {  	s26 =	simm.s32 $0x5E80  }
0x4e: {  	[tilespmem:s26], [sflag:$0x2] =	stream.linear.gather [spmem:s11], $0x280, $0x38;
	[tilespmem:$0xA200] =	vst v63  }
0x4f: {  	s1 =	simm.s32 $0x6100  }
0x50: {  	[tilespmem:s1], [sflag:$0x2] =	stream.linear.gather [spmem:s12], $0x280, $0x38;
	[tilespmem:$0xA200] =	vst v63  }
0x51: {  	s2 =	simm.s32 $0x6380  }
0x52: {  	[tilespmem:s2], [sflag:$0x2] =	stream.linear.gather [spmem:s13], $0x280, $0x38;
	[tilespmem:$0xA200] =	vst v63  }
0x53: {  	s26 =	simm.s32 $0x6600  }
0x54: {  	[tilespmem:s26], [sflag:$0x2] =	stream.linear.gather [spmem:s14], $0x280, $0x38;
	[tilespmem:$0xA200] =	vst v63  }
0x55: {  	s1 =	simm.s32 $0x6880  }
0x56: {  	[tilespmem:s1], [sflag:$0x2] =	stream.linear.gather [spmem:s15], $0x280, $0x38;
	[tilespmem:$0xA200] =	vst v63  }
0x57: {  	s2 =	simm.s32 $0x6B00  }
0x58: {  	[tilespmem:s2], [sflag:$0x2] =	stream.linear.gather [spmem:s16], $0x280, $0x38;
	[tilespmem:$0xA200] =	vst v63  }
0x59: {  	s26 =	simm.s32 $0x6D80  }
0x5a: {  	[tilespmem:s26], [sflag:$0x2] =	stream.linear.gather [spmem:s17], $0x280, $0x38;
	[tilespmem:$0xA200] =	vst v63  }
0x5b: {  	s1 =	simm.s32 $0x7000  }
0x5c: {  	[tilespmem:s1], [sflag:$0x2] =	stream.linear.gather [spmem:s18], $0x280, $0x38;
	[tilespmem:$0xA200] =	vst v63  }
0x5d: {  	s2 =	simm.s32 $0x7280  }
0x5e: {  	[tilespmem:s2], [sflag:$0x2] =	stream.linear.gather [spmem:s19], $0x280, $0x38;
	[tilespmem:$0xA200] =	vst v63  }
0x5f: {  	s26 =	simm.s32 $0x7500  }
0x60: {  	[tilespmem:s26], [sflag:$0x2] =	stream.linear.gather [spmem:s20], $0x280, $0x38;
	[tilespmem:$0xA200] =	vst v63  }
0x61: {  	_ =	swait.ge [sflag:s29], $0x280  }
0x62: {  	[sflag:s29] =	ssyncset.done $0x0  }
0x63: {  	[sflag:s29] =	ssyncadd.s32 $0xFFFFFD80  }
0x64: {  	_ =	swait.ge [sflag:s29], $0x280  }
0x65: {  	[sflag:s29] =	ssyncset.done $0x0  }
0x66: {  	[sflag:s29] =	ssyncadd.s32 $0xFFFFFD80  }
0x67: {  	_ =	swait.ge [sflag:s29], $0x280  }
0x68: {  	[sflag:s29] =	ssyncset.done $0x0  }
0x69: {  	[sflag:s29] =	ssyncadd.s32 $0xFFFFFD80  }
0x6a: {  	_ =	swait.ge [sflag:s29], $0x280  }
0x6b: {  	[sflag:s29] =	ssyncset.done $0x0  }
0x6c: {  	[sflag:s29] =	ssyncadd.s32 $0xFFFFFD80  }
0x6d: {  	_ =	swait.ge [sflag:s29], $0x280  }
0x6e: {  	[sflag:s29] =	ssyncset.done $0x0  }
0x6f: {  	[sflag:s29] =	ssyncadd.s32 $0xFFFFFD80  }
0x70: {  	_ =	swait.ge [sflag:s29], $0x280  }
0x71: {  	[sflag:s29] =	ssyncset.done $0x0  }
0x72: {  	[sflag:s29] =	ssyncadd.s32 $0xFFFFFD80  }
0x73: {  	_ =	swait.ge [sflag:s29], $0x280  }
0x74: {  	[sflag:s29] =	ssyncset.done $0x0  }
0x75: {  	[sflag:s29] =	ssyncadd.s32 $0xFFFFFD80  }
0x76: {  	_ =	swait.ge [sflag:s29], $0x280  }
0x77: {  	[sflag:s29] =	ssyncset.done $0x0  }
0x78: {  	[sflag:s29] =	ssyncadd.s32 $0xFFFFFD80  }
0x79: {  	_ =	swait.ge [sflag:s29], $0x280  }
0x7a: {  	[sflag:s29] =	ssyncset.done $0x0  }
0x7b: {  	[sflag:s29] =	ssyncadd.s32 $0xFFFFFD80  }
0x7c: {  	_ =	swait.ge [sflag:s29], $0x280  }
0x7d: {  	[sflag:s29] =	ssyncset.done $0x0  }
0x7e: {  	[sflag:s29] =	ssyncadd.s32 $0xFFFFFD80  }
0x7f: {  	_ =	swait.ge [sflag:s29], $0x280  }
0x80: {  	[sflag:s29] =	ssyncset.done $0x0  }
0x81: {  	[sflag:s29] =	ssyncadd.s32 $0xFFFFFD80  }
0x82: {  	_ =	swait.ge [sflag:s29], $0x280  }
0x83: {  	[sflag:s29] =	ssyncset.done $0x0  }
0x84: {  	[sflag:s29] =	ssyncadd.s32 $0xFFFFFD80  }
0x85: {  	_ =	swait.ge [sflag:s29], $0x280  }
0x86: {  	[sflag:s29] =	ssyncset.done $0x0  }
0x87: {  	[sflag:s29] =	ssyncadd.s32 $0xFFFFFD80  }
0x88: {  	_ =	swait.ge [sflag:s29], $0x280  }
0x89: {  	[sflag:s29] =	ssyncset.done $0x0  }
0x8a: {  	[sflag:s29] =	ssyncadd.s32 $0xFFFFFD80  }
0x8b: {  	_ =	swait.ge [sflag:s29], $0x280  }
0x8c: {  	[sflag:s29] =	ssyncset.done $0x0  }
0x8d: {  	[sflag:s29] =	ssyncadd.s32 $0xFFFFFD80  }
0x8e: {  	_ =	swait.ge [sflag:s29], $0x280  }
0x8f: {  	s1 =	simm.s32 $0x0;
	[sflag:s29] =	ssyncset.done $0x0  }
0x90: {  	s26 =	sand.u32 $0x3C0, s1;
	[sflag:s29] =	ssyncadd.s32 $0xFFFFFD80  }
0x91: {  	s0 =	simm.s32 $0x6390;
	v2 =	vld [tilespmem:s26+$0x5200]  }
0x92: {  	v3 =	vld [tilespmem:s0+$0xFFFFEBF0];
	_ =	sdelay $0x1  }
0x93: {  	v4 =	vld [tilespmem:s26+$0x5480];
	_ =	sdelay $0x1  }
0x94: {  	v5 =	vld [tilespmem:s26+$0x5700]  }
0x95: {  	v2 =	vadd.f32 v2, v3  }
0x96: {  	v3 =	vld [tilespmem:s26+$0x5980]  }
0x97: {  	v2 =	vadd.f32 v4, v2  }
0x98: {  	v4 =	vld [tilespmem:s26+$0x5C00]  }
0x99: {  	v2 =	vadd.f32 v5, v2  }
0x9a: {  	v5 =	vld [tilespmem:s26+$0x5E80]  }
0x9b: {  	v2 =	vadd.f32 v3, v2  }
0x9c: {  	v3 =	vld [tilespmem:s26+$0x6100]  }
0x9d: {  	v2 =	vadd.f32 v4, v2  }
0x9e: {  	v4 =	vld [tilespmem:s26+$0x6380]  }
0x9f: {  	v2 =	vadd.f32 v5, v2  }
0xa0: {  	v5 =	vld [tilespmem:s26+$0x6600]  }
0xa1: {  	v2 =	vadd.f32 v3, v2  }
0xa2: {  	v3 =	vld [tilespmem:s26+$0x6880]  }
0xa3: {  	v2 =	vadd.f32 v4, v2  }
0xa4: {  	v4 =	vld [tilespmem:s26+$0x6B00]  }
0xa5: {  	v2 =	vadd.f32 v5, v2  }
0xa6: {  	v5 =	vld [tilespmem:s26+$0x6D80]  }
0xa7: {  	v2 =	vadd.f32 v3, v2  }
0xa8: {  	v3 =	vld [tilespmem:s26+$0x7000]  }
0xa9: {  	v2 =	vadd.f32 v4, v2  }
0xaa: {  	v4 =	vld [tilespmem:s26+$0x7280]  }
0xab: {  	v2 =	vadd.f32 v5, v2  }
0xac: {  	v5 =	vld [tilespmem:s26+$0x7500]  }
0xad: {  	v2 =	vadd.f32 v3, v2;
	_ =	sdelay $0x1  }
0xae: {  	v2 =	vadd.f32 v4, v2;
	_ =	sdelay $0x1  }
0xaf: {  	v2 =	vadd.f32 v5, v2  }
0xb0: {  	s26 =	simm.s32 $0x77A0  }
0xb1: {  	[tilespmem:s26+$0xFFFFFFE0] =	vst v2  }
0xb2: {  	v2 =	vld [tilespmem:s0+$0xFFFFEC00]  }
0xb3: {  	v3 =	vld [tilespmem:s0+$0xFFFFEE80];
	_ =	sdelay $0x1  }
0xb4: {  	v4 =	vld [tilespmem:s0+$0xFFFFF100];
	_ =	sdelay $0x1  }
0xb5: {  	v5 =	vld [tilespmem:s0+$0xFFFFF380]  }
0xb6: {  	v2 =	vadd.f32 v3, v2  }
0xb7: {  	v3 =	vld [tilespmem:s0+$0xFFFFF600]  }
0xb8: {  	v2 =	vadd.f32 v4, v2  }
0xb9: {  	v4 =	vld [tilespmem:s0+$0xFFFFF880]  }
0xba: {  	v2 =	vadd.f32 v5, v2  }
0xbb: {  	v5 =	vld [tilespmem:s0+$0xFFFFFB00]  }
0xbc: {  	v2 =	vadd.f32 v3, v2  }
0xbd: {  	v3 =	vld [tilespmem:s0+$0xFFFFFD80]  }
0xbe: {  	v2 =	vadd.f32 v4, v2  }
0xbf: {  	v4 =	vld [tilespmem:s0+$0x0]  }
0xc0: {  	v2 =	vadd.f32 v5, v2  }
0xc1: {  	v5 =	vld [tilespmem:s0+$0x280]  }
0xc2: {  	v2 =	vadd.f32 v3, v2  }
0xc3: {  	v3 =	vld [tilespmem:s0+$0x500]  }
0xc4: {  	v2 =	vadd.f32 v4, v2  }
0xc5: {  	v4 =	vld [tilespmem:s0+$0x780]  }
0xc6: {  	v2 =	vadd.f32 v5, v2  }
0xc7: {  	v5 =	vld [tilespmem:s0+$0xA00]  }
0xc8: {  	v2 =	vadd.f32 v3, v2  }
0xc9: {  	v3 =	vld [tilespmem:s0+$0xC80]  }
0xca: {  	v2 =	vadd.f32 v4, v2  }
0xcb: {  	v4 =	vld [tilespmem:s0+$0xF00]  }
0xcc: {  	v2 =	vadd.f32 v5, v2  }
0xcd: {  	v5 =	vld [tilespmem:s0+$0x1180]  }
0xce: {  	v2 =	vadd.f32 v3, v2;
	_ =	sdelay $0x1  }
0xcf: {  	v2 =	vadd.f32 v4, v2;
	_ =	sdelay $0x1  }
0xd0: {  	v2 =	vadd.f32 v5, v2;
	_ =	sdelay $0x1  }
0xd1: {  	[tilespmem:s26+$0xFFFFFFF0] =	vst v2  }
0xd2: {  	v2 =	vld [tilespmem:s0+$0xFFFFEC10]  }
0xd3: {  	v3 =	vld [tilespmem:s0+$0xFFFFEE90];
	_ =	sdelay $0x1  }
0xd4: {  	v4 =	vld [tilespmem:s0+$0xFFFFF110];
	_ =	sdelay $0x1  }
0xd5: {  	v5 =	vld [tilespmem:s0+$0xFFFFF390]  }
0xd6: {  	v2 =	vadd.f32 v3, v2  }
0xd7: {  	v3 =	vld [tilespmem:s0+$0xFFFFF610]  }
0xd8: {  	v2 =	vadd.f32 v4, v2  }
0xd9: {  	v4 =	vld [tilespmem:s0+$0xFFFFF890]  }
0xda: {  	v2 =	vadd.f32 v5, v2  }
0xdb: {  	v5 =	vld [tilespmem:s0+$0xFFFFFB10]  }
0xdc: {  	v2 =	vadd.f32 v3, v2  }
0xdd: {  	v3 =	vld [tilespmem:s0+$0xFFFFFD90]  }
0xde: {  	v2 =	vadd.f32 v4, v2  }
0xdf: {  	v4 =	vld [tilespmem:s0+$0x10]  }
0xe0: {  	v2 =	vadd.f32 v5, v2  }
0xe1: {  	v5 =	vld [tilespmem:s0+$0x290]  }
0xe2: {  	v2 =	vadd.f32 v3, v2  }
0xe3: {  	v3 =	vld [tilespmem:s0+$0x510]  }
0xe4: {  	v2 =	vadd.f32 v4, v2  }
0xe5: {  	v4 =	vld [tilespmem:s0+$0x790]  }
0xe6: {  	v2 =	vadd.f32 v5, v2  }
0xe7: {  	v5 =	vld [tilespmem:s0+$0xA10]  }
0xe8: {  	v2 =	vadd.f32 v3, v2  }
0xe9: {  	v3 =	vld [tilespmem:s0+$0xC90]  }
0xea: {  	v2 =	vadd.f32 v4, v2  }
0xeb: {  	v4 =	vld [tilespmem:s0+$0xF10]  }
0xec: {  	v2 =	vadd.f32 v5, v2  }
0xed: {  	v5 =	vld [tilespmem:s0+$0x1190]  }
0xee: {  	v2 =	vadd.f32 v3, v2;
	_ =	sdelay $0x1  }
0xef: {  	v2 =	vadd.f32 v4, v2;
	_ =	sdelay $0x1  }
0xf0: {  	v2 =	vadd.f32 v5, v2;
	_ =	sdelay $0x1  }
0xf1: {  	[tilespmem:s26+$0x0] =	vst v2  }
0xf2: {  	v2 =	vld [tilespmem:s0+$0xFFFFEC20]  }
0xf3: {  	v3 =	vld [tilespmem:s0+$0xFFFFEEA0];
	_ =	sdelay $0x1  }
0xf4: {  	v4 =	vld [tilespmem:s0+$0xFFFFF120];
	_ =	sdelay $0x1  }
0xf5: {  	v5 =	vld [tilespmem:s0+$0xFFFFF3A0]  }
0xf6: {  	v2 =	vadd.f32 v3, v2  }
0xf7: {  	v3 =	vld [tilespmem:s0+$0xFFFFF620]  }
0xf8: {  	v2 =	vadd.f32 v4, v2  }
0xf9: {  	v4 =	vld [tilespmem:s0+$0xFFFFF8A0]  }
0xfa: {  	v2 =	vadd.f32 v5, v2  }
0xfb: {  	v5 =	vld [tilespmem:s0+$0xFFFFFB20]  }
0xfc: {  	v2 =	vadd.f32 v3, v2  }
0xfd: {  	v3 =	vld [tilespmem:s0+$0xFFFFFDA0]  }
0xfe: {  	v2 =	vadd.f32 v4, v2  }
0xff: {  	v4 =	vld [tilespmem:s0+$0x20]  }
0x100: {  	v2 =	vadd.f32 v5, v2  }
0x101: {  	v5 =	vld [tilespmem:s0+$0x2A0]  }
0x102: {  	v2 =	vadd.f32 v3, v2  }
0x103: {  	v3 =	vld [tilespmem:s0+$0x520]  }
0x104: {  	v2 =	vadd.f32 v4, v2  }
0x105: {  	v4 =	vld [tilespmem:s0+$0x7A0]  }
0x106: {  	v2 =	vadd.f32 v5, v2  }
0x107: {  	v5 =	vld [tilespmem:s0+$0xA20]  }
0x108: {  	v2 =	vadd.f32 v3, v2  }
0x109: {  	v6 =	vld [tilespmem:s0+$0xCA0]  }
0x10a: {  	v2 =	vadd.f32 v4, v2  }
0x10b: {  	v3 =	vld [tilespmem:s0+$0xF20]  }
0x10c: {  	v4 =	vadd.f32 v5, v2  }
0x10d: {  	v2 =	vld [tilespmem:s0+$0x11A0]  }
0x10e: {  	v4 =	vadd.f32 v6, v4  }
0x10f: {  	s28 =	simm.s32 $0x0;
	s30 =	simm.s32 $0x77E0  }
.LBB2_6:
0x110: {  	s28 =	sadd.s32 $0x4, s28;
	v3 =	vadd.f32 v3, v4;
	s0 =	sadd.s32 $0x40, s0;
	s1 =	sadd.s32 $0x40, s1  }
0x111: {  	p0 =	slt.u32 s28, $0x24  }
0x112: {  	v2 =	vadd.f32 v2, v3;
	_ =	sdelay $0x1  }
0x113: {  	s2 =	sand.u32 $0x3C0, s1;
	[tilespmem:s26+$0x10] =	vst v2;
	s26 =	smov.u32 s30  }
0x114: {  	v2 =	vld [tilespmem:s2+$0x5200]  }
0x115: {  	v3 =	vld [tilespmem:s0+$0xFFFFEBF0];
	_ =	sdelay $0x1  }
0x116: {  	v4 =	vld [tilespmem:s2+$0x5480];
	_ =	sdelay $0x1  }
0x117: {  	v5 =	vld [tilespmem:s2+$0x5700]  }
0x118: {  	v2 =	vadd.f32 v2, v3  }
0x119: {  	v3 =	vld [tilespmem:s2+$0x5980]  }
0x11a: {  	v2 =	vadd.f32 v4, v2  }
0x11b: {  	v4 =	vld [tilespmem:s2+$0x5C00]  }
0x11c: {  	v2 =	vadd.f32 v5, v2  }
0x11d: {  	v5 =	vld [tilespmem:s2+$0x5E80]  }
0x11e: {  	v2 =	vadd.f32 v3, v2  }
0x11f: {  	v3 =	vld [tilespmem:s2+$0x6100]  }
0x120: {  	v2 =	vadd.f32 v4, v2  }
0x121: {  	v4 =	vld [tilespmem:s2+$0x6380]  }
0x122: {  	v2 =	vadd.f32 v5, v2  }
0x123: {  	v5 =	vld [tilespmem:s2+$0x6600]  }
0x124: {  	v2 =	vadd.f32 v3, v2  }
0x125: {  	v3 =	vld [tilespmem:s2+$0x6880]  }
0x126: {  	v2 =	vadd.f32 v4, v2  }
0x127: {  	v4 =	vld [tilespmem:s2+$0x6B00]  }
0x128: {  	v2 =	vadd.f32 v5, v2  }
0x129: {  	v5 =	vld [tilespmem:s2+$0x6D80]  }
0x12a: {  	v2 =	vadd.f32 v3, v2  }
0x12b: {  	v3 =	vld [tilespmem:s2+$0x7000]  }
0x12c: {  	v2 =	vadd.f32 v4, v2  }
0x12d: {  	v4 =	vld [tilespmem:s2+$0x7280]  }
0x12e: {  	v2 =	vadd.f32 v5, v2  }
0x12f: {  	v5 =	vld [tilespmem:s2+$0x7500]  }
0x130: {  	v2 =	vadd.f32 v3, v2;
	_ =	sdelay $0x1  }
0x131: {  	v2 =	vadd.f32 v4, v2;
	_ =	sdelay $0x1  }
0x132: {  	v2 =	vadd.f32 v5, v2;
	_ =	sdelay $0x1  }
0x133: {  	[tilespmem:s30+$0xFFFFFFE0] =	vst v2  }
0x134: {  	v2 =	vld [tilespmem:s0+$0xFFFFEC00]  }
0x135: {  	v3 =	vld [tilespmem:s0+$0xFFFFEE80];
	_ =	sdelay $0x1  }
0x136: {  	v4 =	vld [tilespmem:s0+$0xFFFFF100];
	_ =	sdelay $0x1  }
0x137: {  	v5 =	vld [tilespmem:s0+$0xFFFFF380]  }
0x138: {  	v2 =	vadd.f32 v3, v2  }
0x139: {  	v3 =	vld [tilespmem:s0+$0xFFFFF600]  }
0x13a: {  	v2 =	vadd.f32 v4, v2  }
0x13b: {  	v4 =	vld [tilespmem:s0+$0xFFFFF880]  }
0x13c: {  	v2 =	vadd.f32 v5, v2  }
0x13d: {  	v5 =	vld [tilespmem:s0+$0xFFFFFB00]  }
0x13e: {  	v2 =	vadd.f32 v3, v2  }
0x13f: {  	v3 =	vld [tilespmem:s0+$0xFFFFFD80]  }
0x140: {  	v2 =	vadd.f32 v4, v2  }
0x141: {  	v4 =	vld [tilespmem:s0+$0x0]  }
0x142: {  	v2 =	vadd.f32 v5, v2  }
0x143: {  	v5 =	vld [tilespmem:s0+$0x280]  }
0x144: {  	v2 =	vadd.f32 v3, v2  }
0x145: {  	v3 =	vld [tilespmem:s0+$0x500]  }
0x146: {  	v2 =	vadd.f32 v4, v2  }
0x147: {  	v4 =	vld [tilespmem:s0+$0x780]  }
0x148: {  	v2 =	vadd.f32 v5, v2  }
0x149: {  	v5 =	vld [tilespmem:s0+$0xA00]  }
0x14a: {  	v2 =	vadd.f32 v3, v2  }
0x14b: {  	v3 =	vld [tilespmem:s0+$0xC80]  }
0x14c: {  	v2 =	vadd.f32 v4, v2  }
0x14d: {  	v4 =	vld [tilespmem:s0+$0xF00]  }
0x14e: {  	v2 =	vadd.f32 v5, v2  }
0x14f: {  	v5 =	vld [tilespmem:s0+$0x1180]  }
0x150: {  	v2 =	vadd.f32 v3, v2;
	_ =	sdelay $0x1  }
0x151: {  	v2 =	vadd.f32 v4, v2;
	_ =	sdelay $0x1  }
0x152: {  	v2 =	vadd.f32 v5, v2;
	_ =	sdelay $0x1  }
0x153: {  	[tilespmem:s30+$0xFFFFFFF0] =	vst v2  }
0x154: {  	v2 =	vld [tilespmem:s0+$0xFFFFEC10]  }
0x155: {  	v3 =	vld [tilespmem:s0+$0xFFFFEE90];
	_ =	sdelay $0x1  }
0x156: {  	v4 =	vld [tilespmem:s0+$0xFFFFF110];
	_ =	sdelay $0x1  }
0x157: {  	v5 =	vld [tilespmem:s0+$0xFFFFF390]  }
0x158: {  	v2 =	vadd.f32 v3, v2  }
0x159: {  	v3 =	vld [tilespmem:s0+$0xFFFFF610]  }
0x15a: {  	v2 =	vadd.f32 v4, v2  }
0x15b: {  	v4 =	vld [tilespmem:s0+$0xFFFFF890]  }
0x15c: {  	v2 =	vadd.f32 v5, v2  }
0x15d: {  	v5 =	vld [tilespmem:s0+$0xFFFFFB10]  }
0x15e: {  	v2 =	vadd.f32 v3, v2  }
0x15f: {  	v3 =	vld [tilespmem:s0+$0xFFFFFD90]  }
0x160: {  	v2 =	vadd.f32 v4, v2  }
0x161: {  	v4 =	vld [tilespmem:s0+$0x10]  }
0x162: {  	v2 =	vadd.f32 v5, v2  }
0x163: {  	v5 =	vld [tilespmem:s0+$0x290]  }
0x164: {  	v2 =	vadd.f32 v3, v2  }
0x165: {  	v3 =	vld [tilespmem:s0+$0x510]  }
0x166: {  	v2 =	vadd.f32 v4, v2  }
0x167: {  	v4 =	vld [tilespmem:s0+$0x790]  }
0x168: {  	v2 =	vadd.f32 v5, v2  }
0x169: {  	v5 =	vld [tilespmem:s0+$0xA10]  }
0x16a: {  	v2 =	vadd.f32 v3, v2  }
0x16b: {  	v3 =	vld [tilespmem:s0+$0xC90]  }
0x16c: {  	v2 =	vadd.f32 v4, v2  }
0x16d: {  	v4 =	vld [tilespmem:s0+$0xF10]  }
0x16e: {  	v2 =	vadd.f32 v5, v2  }
0x16f: {  	v5 =	vld [tilespmem:s0+$0x1190]  }
0x170: {  	v2 =	vadd.f32 v3, v2;
	_ =	sdelay $0x1  }
0x171: {  	v2 =	vadd.f32 v4, v2;
	_ =	sdelay $0x1  }
0x172: {  	v2 =	vadd.f32 v5, v2;
	_ =	sdelay $0x1  }
0x173: {  	[tilespmem:s30+$0x0] =	vst v2  }
0x174: {  	v2 =	vld [tilespmem:s0+$0xFFFFEC20]  }
0x175: {  	v3 =	vld [tilespmem:s0+$0xFFFFEEA0]  }
0x176: {  	v4 =	vld [tilespmem:s0+$0xFFFFF120]  }
0x177: {  	v5 =	vld [tilespmem:s0+$0xFFFFF3A0]  }
0x178: {  	v6 =	vld [tilespmem:s0+$0xFFFFF620]  }
0x179: {  	v7 =	vld [tilespmem:s0+$0xFFFFF8A0]  }
0x17a: {  	v2 =	vadd.f32 v3, v2;
	v8 =	vld [tilespmem:s0+$0xFFFFFB20]  }
0x17b: {  	v9 =	vld [tilespmem:s0+$0xFFFFFDA0]  }
0x17c: {  	v2 =	vadd.f32 v4, v2;
	v4 =	vld [tilespmem:s0+$0x20]  }
0x17d: {  	v10 =	vld [tilespmem:s0+$0x2A0]  }
0x17e: {  	v2 =	vadd.f32 v5, v2;
	v5 =	vld [tilespmem:s0+$0x520]  }
0x17f: {  	v11 =	vld [tilespmem:s0+$0x7A0]  }
0x180: {  	v2 =	vadd.f32 v6, v2;
	v6 =	vld [tilespmem:s0+$0xA20]  }
0x181: {  	v12 =	vld [tilespmem:s0+$0xCA0]  }
0x182: {  	v7 =	vadd.f32 v7, v2;
	v3 =	vld [tilespmem:s0+$0xF20]  }
0x183: {  	v2 =	vld [tilespmem:s0+$0x11A0]  }
0x184: {  	v7 =	vadd.f32 v8, v7;
	_ =	sdelay $0x1  }
0x185: {  	v7 =	vadd.f32 v9, v7;
	_ =	sdelay $0x1  }
0x186: {  	v4 =	vadd.f32 v4, v7;
	_ =	sdelay $0x1  }
0x187: {  	v4 =	vadd.f32 v10, v4;
	_ =	sdelay $0x1  }
0x188: {  	v4 =	vadd.f32 v5, v4;
	_ =	sdelay $0x1  }
0x189: {  	v4 =	vadd.f32 v11, v4  }
.Ltmp2:
0x18a: {  	(pc) =	sbr.rel @p0 .LBB2_6-.Ltmp2, $3  }
0x18b: {  	v4 =	vadd.f32 v6, v4;
	_ =	sdelay $0x1  }
0x18c: {  	v4 =	vadd.f32 v12, v4  }
0x18d: {  	s30 =	sadd.s32 $0x40, s30  }
0x18e: {  	v3 =	vadd.f32 v3, v4;
	_ =	sdelay $0x1  }
0x18f: {  	s31 =	sadd.s32 $0x1, s31;
	v2 =	vadd.f32 v2, v3  }
0x190: {  	p0 =	sne.s32 s31, s22  }
.Ltmp3:
0x191: {  	s2 =	simm.s32 $0x0;
	s0 =	simm.s32 $0x7780;
	[tilespmem:s26+$0x10] =	vst v2;
	(pc) =	sbr.rel @p0 .LBB2_1-.Ltmp3, $4  }
0x192: {  	[hbm4b:s21+s2] =	stream.linear.scatter [tilespmem:s0], [sflag:$0x3], $0x280, $0x38;
	[tilespmem:$0xA200] =	vst v63  }
0x193: {  	_ =	swait.ge [sflag:s25], $0x280  }
0x194: {  	[sflag:s25] =	ssyncset.done $0x0  }
0x195: {  	[sflag:s25] =	ssyncadd.s32 $0xFFFFFD80  }
0x196: {  	_ =	sfence.sel $0x180000  }
0x197: {  	[bflag:$0x0] =	sbarrier.arrive $0xFFFF  }
0x198: {  	_ =	strace $0x90000047  }
0x199: {  	s0 =	stileid.u32;
	[bflag:$0x2] =	sbarrier.arrive $0xFFFF  }
0x19a: {  	p0 =	sne.s32 s0, $0x0;
	s0 =	rddreg [dreg:$0x3]  }
0x19b: {  	s0 =	sadd.s32 @!p0 $0x100000, s0  }
0x19c: {  	[sflag:s0] =	ssyncadd.tile.s32 @!p0 $0x1;
	_ =	shalt  }
.Lfunc_end2:
_tile_overlayer_lowered:
.L_overlay_start_2:
0x19d: {  	(tag) =	ssettag $0x2  }
0x19e: {  	s0 =	rddreg [dreg:$0x0];
	s2 =	stileid.u32  }
0x19f: {  	s1 =	rddreg [dreg:$0x1];
	p0 =	sne.s32 s2, $0x0  }
0x1a0: {  	s3 =	rddreg [dreg:$0x2];
	[bflag:$0x3] =	sbarrier.arrive $0xFFFF;
	s2 =	simm.s32 @!p0 $0x1C03  }
0x1a1: {  	[timem:s3], [sflag:s2] =	dma.local @!p0 [hbm:s0], s1  }
0x1a2: {  	s0 =	simm.s32 @!p0 $0x3  }
0x1a3: {  	_ =	swait.ge @!p0 [sflag:s0], s1  }
0x1a4: {  	s1 =	ssub.s32 @!p0 $0x0, s1;
	[sflag:s0] =	ssyncset.done @!p0 $0x0  }
0x1a5: {  	[sflag:s0] =	ssyncadd.s32 @!p0 s1  }
0x1a6: {  	[bflag:$0x3] =	sbarrier.arrive $0xFFFF  }
0x1a7: {  	_ =	shalt  }

</sc_bundles>
